<compile_context>
chip_gen: v7x
topology: tpu7x:2x2x1
jax: 0.10.2.dev20260603
libtpu: 0.0.44.dev20260713+nightly
codegen_flags: <defaults>
</compile_context>

<pallas_src>
import functools

import jax
import jax.numpy as jnp
from jax import lax
from jax.experimental import pallas as pl
from jax.experimental.pallas import tpu as pltpu
from jax.experimental.pallas import tpu_sc as plsc

V = 8192
NUM_TRIS = 4096
RES = 256
TRI_CHUNK = 128
NUM_CHUNKS = NUM_TRIS // TRI_CHUNK
STRIP = 32
HALF = 128


def _sc_gather(table16, idx):
    info = plsc.get_sparse_core_info()
    nc, ns = info.num_cores, info.num_subcores
    nw = nc * ns
    b = idx.shape[0]
    b_per_w = b // nw
    mesh = plsc.VectorSubcoreMesh(core_axis_name="c", subcore_axis_name="s")

    @functools.partial(
        pl.kernel,
        out_type=jax.ShapeDtypeStruct((b, 16), jnp.float32),
        mesh=mesh,
        scratch_types=[
            pltpu.VMEM((b_per_w,), jnp.int32),
            pltpu.VMEM((b_per_w, 16), jnp.float32),
            pltpu.SemaphoreType.DMA,
        ],
        compiler_params=pltpu.CompilerParams(use_tc_tiling_on_sc=False),
    )
    def gather_kernel(table_hbm, idx_hbm, out_hbm, idx_v, rows_v, sem):
        wid = lax.axis_index("s") * nc + lax.axis_index("c")
        base = wid * b_per_w
        pltpu.sync_copy(idx_hbm.at[pl.ds(base, b_per_w)], idx_v)
        pltpu.async_copy(table_hbm.at[idx_v], rows_v, sem).wait()
        pltpu.sync_copy(rows_v, out_hbm.at[pl.ds(base, b_per_w)])

    return gather_kernel(table16, idx)


NCORES = 1
CROWS = RES // NCORES


NSTRIPS = CROWS // STRIP


def _raster_body(g_ref, b0_ref, b1_ref, b2_ref, tf_ref, zbuf, hiz):
    ci = pl.program_id(0)
    pi = pl.program_id(1)
    rbase = ci * CROWS

    @pl.when(pi == 0)
    def _init():
        zbuf[...] = jnp.full((CROWS, RES), 1.0e10, jnp.float32)
        zero = jnp.zeros((CROWS, RES), jnp.float32)
        b0_ref[...] = zero
        b1_ref[...] = zero
        b2_ref[...] = zero
        tf_ref[...] = zero
        for s in range(NSTRIPS):
            for h in range(2):
                hiz[s, h] = 1.0e10

    @pl.when(pi > 0)
    def _refresh_hiz():
        for s in range(NSTRIPS):
            for h in range(2):
                hiz[s, h] = jnp.max(zbuf[pl.ds(s * STRIP, STRIP),
                                         pl.ds(h * HALF, HALF)])

    px = lax.broadcasted_iota(jnp.int32, (STRIP, HALF), 1)
    py = lax.broadcasted_iota(jnp.int32, (STRIP, HALF), 0)

    def tri_body(t, carry):
        r = 3 * t
        x0 = g_ref[r, 0].astype(jnp.int32)
        y0 = g_ref[r, 1].astype(jnp.int32)
        z0 = g_ref[r, 2]
        x1 = g_ref[r + 1, 0].astype(jnp.int32)
        y1 = g_ref[r + 1, 1].astype(jnp.int32)
        z1 = g_ref[r + 1, 2]
        x2 = g_ref[r + 2, 0].astype(jnp.int32)
        y2 = g_ref[r + 2, 1].astype(jnp.int32)
        z2 = g_ref[r + 2, 2]
        a0 = y1 - y2
        b0 = x2 - x1
        a1 = y2 - y0
        b1 = x0 - x2
        c0 = -(a0 * x2 + b0 * y2)
        c1 = -(a1 * x2 + b1 * y2)
        dint = a0 * x0 + b0 * y0 + c0
        df = dint.astype(jnp.float32)
        rb = 1.0 / df
        xmin = jnp.minimum(jnp.minimum(x0, x1), x2)
        xmax = jnp.maximum(jnp.maximum(x0, x1), x2)
        ymin = jnp.minimum(jnp.minimum(y0, y1), y2)
        ymax = jnp.maximum(jnp.maximum(y0, y1), y2)
        ok = ((dint != 0) & (xmax >= 0) & (xmin < RES)
              & (ymax >= rbase) & (ymin < rbase + CROWS))
        zmin3 = jnp.minimum(jnp.minimum(z0, z1), z2)
        zam = jnp.maximum(jnp.maximum(jnp.abs(z0), jnp.abs(z1)), jnp.abs(z2))
        zlow = zmin3 - 1.0e-5 * zam

        @pl.when(ok)
        def _tri():
            p0 = a0 * px + b0 * py
            p1 = a1 * px + b1 * py
            s_lo = (jnp.maximum(ymin - rbase, 0)) // STRIP
            s_hi = (jnp.minimum(ymax - rbase, CROWS - 1)) // STRIP
            h_lo = jnp.maximum(xmin, 0) // HALF
            h_hi = jnp.minimum(xmax, RES - 1) // HALF
            tid1 = (pi * TRI_CHUNK + t + 1).astype(jnp.float32)

            def strip_body(s, c2):
                row = pl.multiple_of(s * STRIP, STRIP)
                for h in (0, 1):
                    @pl.when((h_lo <= h) & (h <= h_hi) & (zlow <= hiz[s, h]))
                    def _half(h=h):
                        yb = rbase + s * STRIP
                        off0 = c0 + b0 * yb + a0 * (HALF * h)
                        off1 = c1 + b1 * yb + a1 * (HALF * h)
                        w0 = (p0 + off0).astype(jnp.float32)
                        w1 = (p1 + off1).astype(jnp.float32)
                        bw0 = w0 * rb
                        bw1 = w1 * rb
                        bw2 = (1.0 - bw0) - bw1
                        z = bw0 * z0 + bw1 * z1 + bw2 * z2
                        valid = jnp.minimum(jnp.minimum(bw0, bw1), bw2) >= 0.0
                        zm = jnp.where(valid, z, jnp.inf)
                        rows = pl.ds(row, STRIP)
                        cols = pl.ds(h * HALF, HALF)
                        zb = zbuf[rows, cols]
                        upd = zm < zb
                        zbuf[rows, cols] = jnp.where(upd, zm, zb)
                        b0_ref[rows, cols] = jnp.where(upd, bw0, b0_ref[rows, cols])
                        b1_ref[rows, cols] = jnp.where(upd, bw1, b1_ref[rows, cols])
                        b2_ref[rows, cols] = jnp.where(upd, bw2, b2_ref[rows, cols])
                        tf_ref[rows, cols] = jnp.where(upd, tid1, tf_ref[rows, cols])
                return c2

            lax.fori_loop(s_lo, s_hi + 1, strip_body, 0)

        return carry

    lax.fori_loop(0, TRI_CHUNK, tri_body, 0)


def _rasterize_tc(g3, interpret=False):
    out_shape = [jax.ShapeDtypeStruct((RES, RES), jnp.float32)] * 4
    out_spec = pl.BlockSpec((CROWS, RES), lambda c, i: (c, 0))
    return pl.pallas_call(
        _raster_body,
        grid=(NCORES, NUM_CHUNKS),
        in_specs=[pl.BlockSpec((3 * TRI_CHUNK, 3), lambda c, i: (i, 0),
                               memory_space=pltpu.SMEM)],
        out_specs=[out_spec] * 4,
        out_shape=out_shape,
        scratch_shapes=[pltpu.VMEM((CROWS, RES), jnp.float32),
                        pltpu.SMEM((NSTRIPS, 2), jnp.float32)],
        compiler_params=pltpu.CompilerParams(
            dimension_semantics=("arbitrary", "arbitrary")),
        interpret=interpret,
    )(g3)


def _vertex_screen(vertices, mvp, resolution):
    res_f = jnp.asarray(resolution, jnp.float32)
    num_v = vertices.shape[0]
    mvp_m = mvp.reshape(4, 4).astype(jnp.float32)
    homo = jnp.concatenate(
        [vertices.astype(jnp.float32), jnp.ones((num_v, 1), jnp.float32)], axis=1)
    clip = homo @ mvp_m.T
    w = clip[:, 3]
    safe_w = jnp.where(w != 0.0, w, 1.0)
    ndc = jnp.where((w != 0.0)[:, None], clip[:, :3] / safe_w[:, None], clip[:, :3])
    fx = jnp.nan_to_num((ndc[:, 0] + 1.0) * 0.5 * res_f, nan=0.0,
                        posinf=3.0e4, neginf=-3.0e4)
    fy = jnp.nan_to_num((ndc[:, 1] + 1.0) * 0.5 * res_f, nan=0.0,
                        posinf=3.0e4, neginf=-3.0e4)
    xs = jnp.clip(fx, -12000.0, 12000.0).astype(jnp.int32)
    ys = jnp.clip(fy, -12000.0, 12000.0).astype(jnp.int32)
    zs = ndc[:, 2]
    return xs, ys, zs


def kernel(vertices, triangle_indices, mvp, resolution):
    xs, ys, zs = _vertex_screen(vertices, mvp, resolution)
    table = jnp.zeros((V, 16), jnp.float32)
    table = table.at[:, 0].set(xs.astype(jnp.float32))
    table = table.at[:, 1].set(ys.astype(jnp.float32))
    table = table.at[:, 2].set(zs)
    gathered = _sc_gather(table, triangle_indices.astype(jnp.int32))
    g3 = gathered[:, :3]
    b0, b1, b2, tf = _rasterize_tc(g3)
    return jnp.stack([b0, b1, b2, tf], axis=-1)

# --- scband reference (transcript-rebuilt; emitter-appended) ---
"""Pipeline reference for scband-warp-mesh-rasterizer-60687887892924 (READ-ONLY COPY).

The authoritative reference and input builder live on the scoring server;
editing this copy changes nothing except your own understanding.
"""

import jax, jax.numpy as jnp
import numpy as np

V = 8192
NUM_TRIS = 4096
RES = 256
CHUNK = 128

def setup_inputs(seed: int = 0):
    key = jax.random.key(seed)
    k1, k2, k3 = jax.random.split(key, 3)
    vertices = jax.random.normal(k1, (V, 3), dtype=jnp.float32)
    triangle_indices = jax.random.randint(k2, (NUM_TRIS * 3,), 0, V, dtype=jnp.int32)
    mvp = jax.random.normal(k3, (1, 4, 4), dtype=jnp.float32)
    return {"vertices": vertices, "triangle_indices": triangle_indices, "mvp": mvp, "resolution": RES}

def _rasterize(vertices, mvp, triangle_indices, resolution):
    # Faithful translation of transform_vertices + rasterize_triangles warp kernels.
    # Deterministic depth-test semantics: per-pixel min-depth winner over all triangles
    # (the warp kernel's non-atomic depth test resolves to the same min-depth image
    # modulo write races). Barycentrics/ids only written where depth test passes.
    R = RES
    res_f = jnp.asarray(resolution, jnp.float32)
    num_v = vertices.shape[0]
    mvp_m = mvp.reshape(4, 4).astype(jnp.float32)
    homo = jnp.concatenate([vertices.astype(jnp.float32), jnp.ones((num_v, 1), jnp.float32)], axis=1)
    clip = homo @ mvp_m.T  # transform_vertices: mvp * [v,1]
    w = clip[:, 3]
    safe_w = jnp.where(w != 0.0, w, 1.0)
    ndc = jnp.where((w != 0.0)[:, None], clip[:, :3] / safe_w[:, None], clip[:, :3])
    fx = jnp.nan_to_num((ndc[:, 0] + 1.0) * 0.5 * res_f, nan=0.0, posinf=3.0e4, neginf=-3.0e4)
    fy = jnp.nan_to_num((ndc[:, 1] + 1.0) * 0.5 * res_f, nan=0.0, posinf=3.0e4, neginf=-3.0e4)
    xs = jnp.clip(fx, -12000.0, 12000.0).astype(jnp.int32)
    ys = jnp.clip(fy, -12000.0, 12000.0).astype(jnp.int32)
    zs = ndc[:, 2]
    tris = triangle_indices.reshape(-1, 3).astype(jnp.int32)
    num_tris = tris.shape[0]
    P = R * R
    p = jnp.arange(P)
    py = (p // R).astype(jnp.int32)
    px = (p % R).astype(jnp.int32)
    best_z = jnp.full((P,), 1.0e10, dtype=jnp.float32)   # depth buffer init 1e10
    best_tri = jnp.full((P,), -1, dtype=jnp.int32)       # triangle_ids init -1
    best_bary = jnp.zeros((P, 3), dtype=jnp.float32)     # barycentrics init 0
    for start in range(0, num_tris, CHUNK):
        tc = tris[start:start + CHUNK]
        x0 = xs[tc[:, 0]]; y0 = ys[tc[:, 0]]; z0 = zs[tc[:, 0]]
        x1 = xs[tc[:, 1]]; y1 = ys[tc[:, 1]]; z1 = zs[tc[:, 1]]
        x2 = xs[tc[:, 2]]; y2 = ys[tc[:, 2]]; z2 = zs[tc[:, 2]]
        d = ((y1 - y2) * (x0 - x2) + (x2 - x1) * (y0 - y2)).astype(jnp.float32)
        safe_d = jnp.where(jnp.abs(d) < 1e-8, 1.0, d)
        w0n = ((y1 - y2)[None, :] * (px[:, None] - x2[None, :]) + (x2 - x1)[None, :] * (py[:, None] - y2[None, :])).astype(jnp.float32)
        w1n = ((y2 - y0)[None, :] * (px[:, None] - x2[None, :]) + (x0 - x2)[None, :] * (py[:, None] - y2[None, :])).astype(jnp.float32)
        bw0 = w0n / safe_d[None, :]
        bw1 = w1n / safe_d[None, :]
        bw2 = 1.0 - bw0 - bw1
        z = bw0 * z0[None, :] + bw1 * z1[None, :] + bw2 * z2[None, :]
        valid = (jnp.abs(d) >= 1e-8)[None, :] & (bw0 >= 0.0) & (bw1 >= 0.0) & (bw2 >= 0.0)
        zm = jnp.where(valid, z, jnp.inf)
        idx = jnp.argmin(zm, axis=1)
        zc = jnp.take_along_axis(zm, idx[:, None], axis=1)[:, 0]
        b0 = jnp.take_along_axis(bw0, idx[:, None], axis=1)[:, 0]
        b1 = jnp.take_along_axis(bw1, idx[:, None], axis=1)[:, 0]
        b2 = jnp.take_along_axis(bw2, idx[:, None], axis=1)[:, 0]
        upd = zc < best_z  # strict less, as in kernel z < depth_buffer
        best_z = jnp.where(upd, zc, best_z)
        best_tri = jnp.where(upd, (start + idx).astype(jnp.int32), best_tri)
        new_bary = jnp.stack([b0, b1, b2], axis=1)
        best_bary = jnp.where(upd[:, None], new_bary, best_bary)
    tri_channel = (best_tri + 1).astype(jnp.float32)[:, None]
    rast = jnp.concatenate([best_bary, tri_channel], axis=1).reshape(R, R, 4)
    return rast

def reference(vertices, triangle_indices, mvp, resolution):
    return _rasterize(vertices, mvp, triangle_indices, resolution)

if __name__ == "__main__":
    import jax
    _d = setup_inputs()
    print(jax.jit(kernel)(*tuple(_d.values())))

</pallas_src>

<mosaic_0001>
#map = affine_map<(d0, d1) -> (0, 0)>
#map1 = affine_map<(d0, d1) -> (0)>
module attributes {stable_mosaic.version = 14 : i64} {
  func.func @gather_kernel(%arg0: i32, %arg1: i32, %arg2: memref<8192x16xf32, #tpu.memory_space<hbm>>, %arg3: memref<12288xi32, #tpu.memory_space<hbm>>, %arg4: memref<12288x16xf32, #tpu.memory_space<hbm>>, %arg5: memref<384xi32, #tpu.memory_space<vmem>>, %arg6: memref<384x16xf32, #tpu.memory_space<vmem>>, %arg7: memref<!tpu.dma_semaphore, #tpu.memory_space<semaphore_mem>>) attributes {dimension_semantics = [#tpu.dimension_semantics<core_parallel>, #tpu.dimension_semantics<subcore_parallel>], iteration_bounds = array<i64: 2, 16>, scalar_prefetch = 0 : i64, scratch_operands = 3 : i64, tpu.core_type = #tpu.core_type<sc_vector_subcore>, window_params = [{transform_indices = #map}, {transform_indices = #map1}, {transform_indices = #map}]} {
    %mul3A = arith.constant 2 : i32
    %mul3A_0 = arith.muli %arg1, %mul3A : i32
    %add3A = arith.addi %mul3A_0, %arg0 : i32
    %mul3A_1 = arith.constant 384 : i32
    %mul3A_2 = arith.muli %add3A, %mul3A_1 : i32
    "tpu.region"() ({
      %run_scoped3A = tpu.sem_alloc : memref<!tpu.dma_semaphore, #tpu.memory_space<semaphore_mem>>
      %dma_start3A_7 = tpu.memref_slice %arg3[%mul3A_2] : memref<12288xi32, #tpu.memory_space<hbm>> -> memref<384xi32, #tpu.memory_space<hbm>>
      %dma_start3A_8 = tpu.memref_slice %arg3[%mul3A_2] : memref<12288xi32, #tpu.memory_space<hbm>> -> memref<384xi32, #tpu.memory_space<hbm>>
      tpu.enqueue_dma source(%dma_start3A_8 : memref<384xi32, #tpu.memory_space<hbm>>) target(%arg5 : memref<384xi32, #tpu.memory_space<vmem>>) target_semaphore(%run_scoped3A : memref<!tpu.dma_semaphore, #tpu.memory_space<semaphore_mem>>)
      %dma_wait3A_9 = tpu.memref_slice %arg3[%mul3A_2] : memref<12288xi32, #tpu.memory_space<hbm>> -> memref<384xi32, #tpu.memory_space<hbm>>
      %dma_wait3A_10 = tpu.memref_slice %arg3[%mul3A_2] : memref<12288xi32, #tpu.memory_space<hbm>> -> memref<384xi32, #tpu.memory_space<hbm>>
      tpu.wait_dma2 semaphore(%run_scoped3A : memref<!tpu.dma_semaphore, #tpu.memory_space<semaphore_mem>>) src(%dma_wait3A_10 : memref<384xi32, #tpu.memory_space<hbm>>) dst(%arg5 : memref<384xi32, #tpu.memory_space<vmem>>)
      tpu.yield
    }) : () -> ()
    %dma_start3A = arith.constant 0 : i32
    %dma_start3A_3 = arith.constant 0 : i32
    %dma_start3A_4 = tpu.memref_slice %arg2[%dma_start3A, %dma_start3A_3] : memref<8192x16xf32, #tpu.memory_space<hbm>> -> memref<8192x16xf32, #tpu.memory_space<hbm>>
    tpu.enqueue_indirect_dma source(%dma_start3A_4 : memref<8192x16xf32, #tpu.memory_space<hbm>>) target(%arg6 : memref<384x16xf32, #tpu.memory_space<vmem>>) offsets(%arg5 : memref<384xi32, #tpu.memory_space<vmem>>) semaphore(%arg7 : memref<!tpu.dma_semaphore, #tpu.memory_space<semaphore_mem>>)
    %dma_wait3A = arith.constant 0 : i32
    %dma_wait3A_5 = arith.constant 0 : i32
    %dma_wait3A_6 = tpu.memref_slice %arg2[%dma_wait3A, %dma_wait3A_5] : memref<8192x16xf32, #tpu.memory_space<hbm>> -> memref<8192x16xf32, #tpu.memory_space<hbm>>
    tpu.wait_indirect_dma semaphore(%arg7 : memref<!tpu.dma_semaphore, #tpu.memory_space<semaphore_mem>>) src(%dma_wait3A_6 : memref<8192x16xf32, #tpu.memory_space<hbm>>) dst(%arg6 : memref<384x16xf32, #tpu.memory_space<vmem>>)
    "tpu.region"() ({
      %run_scoped3A = tpu.sem_alloc : memref<!tpu.dma_semaphore, #tpu.memory_space<semaphore_mem>>
      %dma_start3A_7 = arith.constant 0 : i32
      %dma_start3A_8 = tpu.memref_slice %arg4[%mul3A_2, %dma_start3A_7] : memref<12288x16xf32, #tpu.memory_space<hbm>> -> memref<384x16xf32, #tpu.memory_space<hbm>>
      %dma_start3A_9 = arith.constant 0 : i32
      %dma_start3A_10 = tpu.memref_slice %arg4[%mul3A_2, %dma_start3A_9] : memref<12288x16xf32, #tpu.memory_space<hbm>> -> memref<384x16xf32, #tpu.memory_space<hbm>>
      tpu.enqueue_dma source(%arg6 : memref<384x16xf32, #tpu.memory_space<vmem>>) target(%dma_start3A_10 : memref<384x16xf32, #tpu.memory_space<hbm>>) target_semaphore(%run_scoped3A : memref<!tpu.dma_semaphore, #tpu.memory_space<semaphore_mem>>)
      %dma_wait3A_11 = arith.constant 0 : i32
      %dma_wait3A_12 = tpu.memref_slice %arg4[%mul3A_2, %dma_wait3A_11] : memref<12288x16xf32, #tpu.memory_space<hbm>> -> memref<384x16xf32, #tpu.memory_space<hbm>>
      %dma_wait3A_13 = arith.constant 0 : i32
      %dma_wait3A_14 = tpu.memref_slice %arg4[%mul3A_2, %dma_wait3A_13] : memref<12288x16xf32, #tpu.memory_space<hbm>> -> memref<384x16xf32, #tpu.memory_space<hbm>>
      tpu.wait_dma2 semaphore(%run_scoped3A : memref<!tpu.dma_semaphore, #tpu.memory_space<semaphore_mem>>) src(%arg6 : memref<384x16xf32, #tpu.memory_space<vmem>>) dst(%dma_wait3A_14 : memref<384x16xf32, #tpu.memory_space<hbm>>)
      tpu.yield
    }) : () -> ()
    return
  }
}

module attributes {stable_mosaic.version = 14 : i64} {
  func.func @_raster_body(%arg0: i32, %arg1: i32, %arg2: memref<384x3xf32, #tpu.memory_space<smem>>, %arg3: memref<256x256xf32, #tpu.memory_space<vmem>>, %arg4: memref<256x256xf32, #tpu.memory_space<vmem>>, %arg5: memref<256x256xf32, #tpu.memory_space<vmem>>, %arg6: memref<256x256xf32, #tpu.memory_space<vmem>>, %arg7: memref<256x256xf32, #tpu.memory_space<vmem>>, %arg8: memref<8x2xf32, #tpu.memory_space<smem>>) attributes {dimension_semantics = [#tpu.dimension_semantics<arbitrary>, #tpu.dimension_semantics<arbitrary>], iteration_bounds = array<i64: 1, 32>, scalar_prefetch = 0 : i64, scratch_operands = 2 : i64, tpu.core_type = #tpu.core_type<tc>, window_params = [{transform_indices = @transform_0, window_bounds = array<i64: 384, 3>}, {transform_indices = @transform_1, window_bounds = array<i64: 256, 256>}, {transform_indices = @transform_2, window_bounds = array<i64: 256, 256>}, {transform_indices = @transform_3, window_bounds = array<i64: 256, 256>}, {transform_indices = @transform_4, window_bounds = array<i64: 256, 256>}]} {
    %mul3A = arith.constant 256 : i32
    %mul3A_0 = arith.muli %arg0, %mul3A : i32
    %eq3A = arith.constant 0 : i32
    %eq3A_1 = arith.cmpi eq, %arg1, %eq3A : i32
    %convert_element_type3A = arith.extui %eq3A_1 : i1 to i32
    %cond3A = arith.constant 0 : i32
    %cond3A_2 = arith.cmpi ne, %convert_element_type3A, %cond3A : i32
    scf.if %cond3A_2 {
      %broadcast_in_dim3A = arith.constant 1.000000e+10 : f32
      %broadcast_in_dim3A_12 = vector.broadcast %broadcast_in_dim3A : f32 to vector<256x256xf32>
      %swap3A = arith.constant 0 : index
      %swap3A_13 = arith.constant 0 : index
      %swap3A_14 = vector.load %arg7[%swap3A, %swap3A_13] : memref<256x256xf32, #tpu.memory_space<vmem>>, vector<256x256xf32>
      tpu.vector_store %arg7[%swap3A, %swap3A_13], %broadcast_in_dim3A_12 {strides = array<i32>} : memref<256x256xf32, #tpu.memory_space<vmem>>, vector<256x256xf32>,
      %broadcast_in_dim3A_15 = arith.constant 0.000000e+00 : f32
      %broadcast_in_dim3A_16 = vector.broadcast %broadcast_in_dim3A_15 : f32 to vector<256x256xf32>
      %swap3A_17 = arith.constant 0 : index
      %swap3A_18 = arith.constant 0 : index
      %swap3A_19 = vector.load %arg3[%swap3A_17, %swap3A_18] : memref<256x256xf32, #tpu.memory_space<vmem>>, vector<256x256xf32>
      tpu.vector_store %arg3[%swap3A_17, %swap3A_18], %broadcast_in_dim3A_16 {strides = array<i32>} : memref<256x256xf32, #tpu.memory_space<vmem>>, vector<256x256xf32>,
      %swap3A_20 = arith.constant 0 : index
      %swap3A_21 = arith.constant 0 : index
      %swap3A_22 = vector.load %arg4[%swap3A_20, %swap3A_21] : memref<256x256xf32, #tpu.memory_space<vmem>>, vector<256x256xf32>
      tpu.vector_store %arg4[%swap3A_20, %swap3A_21], %broadcast_in_dim3A_16 {strides = array<i32>} : memref<256x256xf32, #tpu.memory_space<vmem>>, vector<256x256xf32>,
      %swap3A_23 = arith.constant 0 : index
      %swap3A_24 = arith.constant 0 : index
      %swap3A_25 = vector.load %arg5[%swap3A_23, %swap3A_24] : memref<256x256xf32, #tpu.memory_space<vmem>>, vector<256x256xf32>
      tpu.vector_store %arg5[%swap3A_23, %swap3A_24], %broadcast_in_dim3A_16 {strides = array<i32>} : memref<256x256xf32, #tpu.memory_space<vmem>>, vector<256x256xf32>,
      %swap3A_26 = arith.constant 0 : index
      %swap3A_27 = arith.constant 0 : index
      %swap3A_28 = vector.load %arg6[%swap3A_26, %swap3A_27] : memref<256x256xf32, #tpu.memory_space<vmem>>, vector<256x256xf32>
      tpu.vector_store %arg6[%swap3A_26, %swap3A_27], %broadcast_in_dim3A_16 {strides = array<i32>} : memref<256x256xf32, #tpu.memory_space<vmem>>, vector<256x256xf32>,
      %swap3A_29 = arith.constant 1.000000e+10 : f32
      %swap3A_30 = arith.constant 0 : index
      %swap3A_31 = arith.constant 0 : index
      %swap3A_32 = memref.load %arg8[%swap3A_30, %swap3A_31] : memref<8x2xf32, #tpu.memory_space<smem>>
      memref.store %swap3A_29, %arg8[%swap3A_30, %swap3A_31] : memref<8x2xf32, #tpu.memory_space<smem>>
      %swap3A_33 = arith.constant 1.000000e+10 : f32
      %swap3A_34 = arith.constant 0 : index
      %swap3A_35 = arith.constant 1 : index
      %swap3A_36 = memref.load %arg8[%swap3A_34, %swap3A_35] : memref<8x2xf32, #tpu.memory_space<smem>>
      memref.store %swap3A_33, %arg8[%swap3A_34, %swap3A_35] : memref<8x2xf32, #tpu.memory_space<smem>>
      %swap3A_37 = arith.constant 1.000000e+10 : f32
      %swap3A_38 = arith.constant 1 : index
      %swap3A_39 = arith.constant 0 : index
      %swap3A_40 = memref.load %arg8[%swap3A_38, %swap3A_39] : memref<8x2xf32, #tpu.memory_space<smem>>
      memref.store %swap3A_37, %arg8[%swap3A_38, %swap3A_39] : memref<8x2xf32, #tpu.memory_space<smem>>
      %swap3A_41 = arith.constant 1.000000e+10 : f32
      %swap3A_42 = arith.constant 1 : index
      %swap3A_43 = arith.constant 1 : index
      %swap3A_44 = memref.load %arg8[%swap3A_42, %swap3A_43] : memref<8x2xf32, #tpu.memory_space<smem>>
      memref.store %swap3A_41, %arg8[%swap3A_42, %swap3A_43] : memref<8x2xf32, #tpu.memory_space<smem>>
      %swap3A_45 = arith.constant 1.000000e+10 : f32
      %swap3A_46 = arith.constant 2 : index
      %swap3A_47 = arith.constant 0 : index
      %swap3A_48 = memref.load %arg8[%swap3A_46, %swap3A_47] : memref<8x2xf32, #tpu.memory_space<smem>>
      memref.store %swap3A_45, %arg8[%swap3A_46, %swap3A_47] : memref<8x2xf32, #tpu.memory_space<smem>>
      %swap3A_49 = arith.constant 1.000000e+10 : f32
      %swap3A_50 = arith.constant 2 : index
      %swap3A_51 = arith.constant 1 : index
      %swap3A_52 = memref.load %arg8[%swap3A_50, %swap3A_51] : memref<8x2xf32, #tpu.memory_space<smem>>
      memref.store %swap3A_49, %arg8[%swap3A_50, %swap3A_51] : memref<8x2xf32, #tpu.memory_space<smem>>
      %swap3A_53 = arith.constant 1.000000e+10 : f32
      %swap3A_54 = arith.constant 3 : index
      %swap3A_55 = arith.constant 0 : index
      %swap3A_56 = memref.load %arg8[%swap3A_54, %swap3A_55] : memref<8x2xf32, #tpu.memory_space<smem>>
      memref.store %swap3A_53, %arg8[%swap3A_54, %swap3A_55] : memref<8x2xf32, #tpu.memory_space<smem>>
      %swap3A_57 = arith.constant 1.000000e+10 : f32
      %swap3A_58 = arith.constant 3 : index
      %swap3A_59 = arith.constant 1 : index
      %swap3A_60 = memref.load %arg8[%swap3A_58, %swap3A_59] : memref<8x2xf32, #tpu.memory_space<smem>>
      memref.store %swap3A_57, %arg8[%swap3A_58, %swap3A_59] : memref<8x2xf32, #tpu.memory_space<smem>>
      %swap3A_61 = arith.constant 1.000000e+10 : f32
      %swap3A_62 = arith.constant 4 : index
      %swap3A_63 = arith.constant 0 : index
      %swap3A_64 = memref.load %arg8[%swap3A_62, %swap3A_63] : memref<8x2xf32, #tpu.memory_space<smem>>
      memref.store %swap3A_61, %arg8[%swap3A_62, %swap3A_63] : memref<8x2xf32, #tpu.memory_space<smem>>
      %swap3A_65 = arith.constant 1.000000e+10 : f32
      %swap3A_66 = arith.constant 4 : index
      %swap3A_67 = arith.constant 1 : index
      %swap3A_68 = memref.load %arg8[%swap3A_66, %swap3A_67] : memref<8x2xf32, #tpu.memory_space<smem>>
      memref.store %swap3A_65, %arg8[%swap3A_66, %swap3A_67] : memref<8x2xf32, #tpu.memory_space<smem>>
      %swap3A_69 = arith.constant 1.000000e+10 : f32
      %swap3A_70 = arith.constant 5 : index
      %swap3A_71 = arith.constant 0 : index
      %swap3A_72 = memref.load %arg8[%swap3A_70, %swap3A_71] : memref<8x2xf32, #tpu.memory_space<smem>>
      memref.store %swap3A_69, %arg8[%swap3A_70, %swap3A_71] : memref<8x2xf32, #tpu.memory_space<smem>>
      %swap3A_73 = arith.constant 1.000000e+10 : f32
      %swap3A_74 = arith.constant 5 : index
      %swap3A_75 = arith.constant 1 : index
      %swap3A_76 = memref.load %arg8[%swap3A_74, %swap3A_75] : memref<8x2xf32, #tpu.memory_space<smem>>
      memref.store %swap3A_73, %arg8[%swap3A_74, %swap3A_75] : memref<8x2xf32, #tpu.memory_space<smem>>
      %swap3A_77 = arith.constant 1.000000e+10 : f32
      %swap3A_78 = arith.constant 6 : index
      %swap3A_79 = arith.constant 0 : index
      %swap3A_80 = memref.load %arg8[%swap3A_78, %swap3A_79] : memref<8x2xf32, #tpu.memory_space<smem>>
      memref.store %swap3A_77, %arg8[%swap3A_78, %swap3A_79] : memref<8x2xf32, #tpu.memory_space<smem>>
      %swap3A_81 = arith.constant 1.000000e+10 : f32
      %swap3A_82 = arith.constant 6 : index
      %swap3A_83 = arith.constant 1 : index
      %swap3A_84 = memref.load %arg8[%swap3A_82, %swap3A_83] : memref<8x2xf32, #tpu.memory_space<smem>>
      memref.store %swap3A_81, %arg8[%swap3A_82, %swap3A_83] : memref<8x2xf32, #tpu.memory_space<smem>>
      %swap3A_85 = arith.constant 1.000000e+10 : f32
      %swap3A_86 = arith.constant 7 : index
      %swap3A_87 = arith.constant 0 : index
      %swap3A_88 = memref.load %arg8[%swap3A_86, %swap3A_87] : memref<8x2xf32, #tpu.memory_space<smem>>
      memref.store %swap3A_85, %arg8[%swap3A_86, %swap3A_87] : memref<8x2xf32, #tpu.memory_space<smem>>
      %swap3A_89 = arith.constant 1.000000e+10 : f32
      %swap3A_90 = arith.constant 7 : index
      %swap3A_91 = arith.constant 1 : index
      %swap3A_92 = memref.load %arg8[%swap3A_90, %swap3A_91] : memref<8x2xf32, #tpu.memory_space<smem>>
      memref.store %swap3A_89, %arg8[%swap3A_90, %swap3A_91] : memref<8x2xf32, #tpu.memory_space<smem>>
    } else {
    }
    %gt3A = arith.constant 0 : i32
    %gt3A_3 = arith.cmpi sgt, %arg1, %gt3A : i32
    %convert_element_type3A_4 = arith.extui %gt3A_3 : i1 to i32
    %cond3A_5 = arith.constant 0 : i32
    %cond3A_6 = arith.cmpi ne, %convert_element_type3A_4, %cond3A_5 : i32
    scf.if %cond3A_6 {
      %get3A = arith.constant 0 : index
      %get3A_12 = arith.constant 0 : index
      %get3A_13 = vector.load %arg7[%get3A, %get3A_12] : memref<256x256xf32, #tpu.memory_space<vmem>>, vector<32x128xf32>
      %reduce_max3A = vector.shape_cast %get3A_13 : vector<32x128xf32> to vector<1x32x128xf32>
      %reduce_max3A_14 = arith.constant dense<0xFF800000> : vector<1xf32>
      %reduce_max3A_15 = vector.multi_reduction <maximumf>, %reduce_max3A, %reduce_max3A_14 [1, 2] : vector<1x32x128xf32> to vector<1xf32>
      %reduce_max3A_16 = vector.shape_cast %reduce_max3A_15 : vector<1xf32> to vector<1x1x1xf32>
      %reduce_max3A_17 = vector.extract %reduce_max3A_16[0, 0, 0] : f32 from vector<1x1x1xf32>
      %swap3A = arith.constant 0 : index
      %swap3A_18 = arith.constant 0 : index
      %swap3A_19 = memref.load %arg8[%swap3A, %swap3A_18] : memref<8x2xf32, #tpu.memory_space<smem>>
      memref.store %reduce_max3A_17, %arg8[%swap3A, %swap3A_18] : memref<8x2xf32, #tpu.memory_space<smem>>
      %get3A_20 = arith.constant 0 : index
      %get3A_21 = arith.constant 128 : index
      %get3A_22 = vector.load %arg7[%get3A_20, %get3A_21] : memref<256x256xf32, #tpu.memory_space<vmem>>, vector<32x128xf32>
      %reduce_max3A_23 = vector.shape_cast %get3A_22 : vector<32x128xf32> to vector<1x32x128xf32>
      %reduce_max3A_24 = arith.constant dense<0xFF800000> : vector<1xf32>
      %reduce_max3A_25 = vector.multi_reduction <maximumf>, %reduce_max3A_23, %reduce_max3A_24 [1, 2] : vector<1x32x128xf32> to vector<1xf32>
      %reduce_max3A_26 = vector.shape_cast %reduce_max3A_25 : vector<1xf32> to vector<1x1x1xf32>
      %reduce_max3A_27 = vector.extract %reduce_max3A_26[0, 0, 0] : f32 from vector<1x1x1xf32>
      %swap3A_28 = arith.constant 0 : index
      %swap3A_29 = arith.constant 1 : index
      %swap3A_30 = memref.load %arg8[%swap3A_28, %swap3A_29] : memref<8x2xf32, #tpu.memory_space<smem>>
      memref.store %reduce_max3A_27, %arg8[%swap3A_28, %swap3A_29] : memref<8x2xf32, #tpu.memory_space<smem>>
      %get3A_31 = arith.constant 32 : index
      %get3A_32 = arith.constant 0 : index
      %get3A_33 = vector.load %arg7[%get3A_31, %get3A_32] : memref<256x256xf32, #tpu.memory_space<vmem>>, vector<32x128xf32>
      %reduce_max3A_34 = vector.shape_cast %get3A_33 : vector<32x128xf32> to vector<1x32x128xf32>
      %reduce_max3A_35 = arith.constant dense<0xFF800000> : vector<1xf32>
      %reduce_max3A_36 = vector.multi_reduction <maximumf>, %reduce_max3A_34, %reduce_max3A_35 [1, 2] : vector<1x32x128xf32> to vector<1xf32>
      %reduce_max3A_37 = vector.shape_cast %reduce_max3A_36 : vector<1xf32> to vector<1x1x1xf32>
      %reduce_max3A_38 = vector.extract %reduce_max3A_37[0, 0, 0] : f32 from vector<1x1x1xf32>
      %swap3A_39 = arith.constant 1 : index
      %swap3A_40 = arith.constant 0 : index
      %swap3A_41 = memref.load %arg8[%swap3A_39, %swap3A_40] : memref<8x2xf32, #tpu.memory_space<smem>>
      memref.store %reduce_max3A_38, %arg8[%swap3A_39, %swap3A_40] : memref<8x2xf32, #tpu.memory_space<smem>>
      %get3A_42 = arith.constant 32 : index
      %get3A_43 = arith.constant 128 : index
      %get3A_44 = vector.load %arg7[%get3A_42, %get3A_43] : memref<256x256xf32, #tpu.memory_space<vmem>>, vector<32x128xf32>
      %reduce_max3A_45 = vector.shape_cast %get3A_44 : vector<32x128xf32> to vector<1x32x128xf32>
      %reduce_max3A_46 = arith.constant dense<0xFF800000> : vector<1xf32>
      %reduce_max3A_47 = vector.multi_reduction <maximumf>, %reduce_max3A_45, %reduce_max3A_46 [1, 2] : vector<1x32x128xf32> to vector<1xf32>
      %reduce_max3A_48 = vector.shape_cast %reduce_max3A_47 : vector<1xf32> to vector<1x1x1xf32>
      %reduce_max3A_49 = vector.extract %reduce_max3A_48[0, 0, 0] : f32 from vector<1x1x1xf32>
      %swap3A_50 = arith.constant 1 : index
      %swap3A_51 = arith.constant 1 : index
      %swap3A_52 = memref.load %arg8[%swap3A_50, %swap3A_51] : memref<8x2xf32, #tpu.memory_space<smem>>
      memref.store %reduce_max3A_49, %arg8[%swap3A_50, %swap3A_51] : memref<8x2xf32, #tpu.memory_space<smem>>
      %get3A_53 = arith.constant 64 : index
      %get3A_54 = arith.constant 0 : index
      %get3A_55 = vector.load %arg7[%get3A_53, %get3A_54] : memref<256x256xf32, #tpu.memory_space<vmem>>, vector<32x128xf32>
      %reduce_max3A_56 = vector.shape_cast %get3A_55 : vector<32x128xf32> to vector<1x32x128xf32>
      %reduce_max3A_57 = arith.constant dense<0xFF800000> : vector<1xf32>
      %reduce_max3A_58 = vector.multi_reduction <maximumf>, %reduce_max3A_56, %reduce_max3A_57 [1, 2] : vector<1x32x128xf32> to vector<1xf32>
      %reduce_max3A_59 = vector.shape_cast %reduce_max3A_58 : vector<1xf32> to vector<1x1x1xf32>
      %reduce_max3A_60 = vector.extract %reduce_max3A_59[0, 0, 0] : f32 from vector<1x1x1xf32>
      %swap3A_61 = arith.constant 2 : index
      %swap3A_62 = arith.constant 0 : index
      %swap3A_63 = memref.load %arg8[%swap3A_61, %swap3A_62] : memref<8x2xf32, #tpu.memory_space<smem>>
      memref.store %reduce_max3A_60, %arg8[%swap3A_61, %swap3A_62] : memref<8x2xf32, #tpu.memory_space<smem>>
      %get3A_64 = arith.constant 64 : index
      %get3A_65 = arith.constant 128 : index
      %get3A_66 = vector.load %arg7[%get3A_64, %get3A_65] : memref<256x256xf32, #tpu.memory_space<vmem>>, vector<32x128xf32>
      %reduce_max3A_67 = vector.shape_cast %get3A_66 : vector<32x128xf32> to vector<1x32x128xf32>
      %reduce_max3A_68 = arith.constant dense<0xFF800000> : vector<1xf32>
      %reduce_max3A_69 = vector.multi_reduction <maximumf>, %reduce_max3A_67, %reduce_max3A_68 [1, 2] : vector<1x32x128xf32> to vector<1xf32>
      %reduce_max3A_70 = vector.shape_cast %reduce_max3A_69 : vector<1xf32> to vector<1x1x1xf32>
      %reduce_max3A_71 = vector.extract %reduce_max3A_70[0, 0, 0] : f32 from vector<1x1x1xf32>
      %swap3A_72 = arith.constant 2 : index
      %swap3A_73 = arith.constant 1 : index
      %swap3A_74 = memref.load %arg8[%swap3A_72, %swap3A_73] : memref<8x2xf32, #tpu.memory_space<smem>>
      memref.store %reduce_max3A_71, %arg8[%swap3A_72, %swap3A_73] : memref<8x2xf32, #tpu.memory_space<smem>>
      %get3A_75 = arith.constant 96 : index
      %get3A_76 = arith.constant 0 : index
      %get3A_77 = vector.load %arg7[%get3A_75, %get3A_76] : memref<256x256xf32, #tpu.memory_space<vmem>>, vector<32x128xf32>
      %reduce_max3A_78 = vector.shape_cast %get3A_77 : vector<32x128xf32> to vector<1x32x128xf32>
      %reduce_max3A_79 = arith.constant dense<0xFF800000> : vector<1xf32>
      %reduce_max3A_80 = vector.multi_reduction <maximumf>, %reduce_max3A_78, %reduce_max3A_79 [1, 2] : vector<1x32x128xf32> to vector<1xf32>
      %reduce_max3A_81 = vector.shape_cast %reduce_max3A_80 : vector<1xf32> to vector<1x1x1xf32>
      %reduce_max3A_82 = vector.extract %reduce_max3A_81[0, 0, 0] : f32 from vector<1x1x1xf32>
      %swap3A_83 = arith.constant 3 : index
      %swap3A_84 = arith.constant 0 : index
      %swap3A_85 = memref.load %arg8[%swap3A_83, %swap3A_84] : memref<8x2xf32, #tpu.memory_space<smem>>
      memref.store %reduce_max3A_82, %arg8[%swap3A_83, %swap3A_84] : memref<8x2xf32, #tpu.memory_space<smem>>
      %get3A_86 = arith.constant 96 : index
      %get3A_87 = arith.constant 128 : index
      %get3A_88 = vector.load %arg7[%get3A_86, %get3A_87] : memref<256x256xf32, #tpu.memory_space<vmem>>, vector<32x128xf32>
      %reduce_max3A_89 = vector.shape_cast %get3A_88 : vector<32x128xf32> to vector<1x32x128xf32>
      %reduce_max3A_90 = arith.constant dense<0xFF800000> : vector<1xf32>
      %reduce_max3A_91 = vector.multi_reduction <maximumf>, %reduce_max3A_89, %reduce_max3A_90 [1, 2] : vector<1x32x128xf32> to vector<1xf32>
      %reduce_max3A_92 = vector.shape_cast %reduce_max3A_91 : vector<1xf32> to vector<1x1x1xf32>
      %reduce_max3A_93 = vector.extract %reduce_max3A_92[0, 0, 0] : f32 from vector<1x1x1xf32>
      %swap3A_94 = arith.constant 3 : index
      %swap3A_95 = arith.constant 1 : index
      %swap3A_96 = memref.load %arg8[%swap3A_94, %swap3A_95] : memref<8x2xf32, #tpu.memory_space<smem>>
      memref.store %reduce_max3A_93, %arg8[%swap3A_94, %swap3A_95] : memref<8x2xf32, #tpu.memory_space<smem>>
      %get3A_97 = arith.constant 128 : index
      %get3A_98 = arith.constant 0 : index
      %get3A_99 = vector.load %arg7[%get3A_97, %get3A_98] : memref<256x256xf32, #tpu.memory_space<vmem>>, vector<32x128xf32>
      %reduce_max3A_100 = vector.shape_cast %get3A_99 : vector<32x128xf32> to vector<1x32x128xf32>
      %reduce_max3A_101 = arith.constant dense<0xFF800000> : vector<1xf32>
      %reduce_max3A_102 = vector.multi_reduction <maximumf>, %reduce_max3A_100, %reduce_max3A_101 [1, 2] : vector<1x32x128xf32> to vector<1xf32>
      %reduce_max3A_103 = vector.shape_cast %reduce_max3A_102 : vector<1xf32> to vector<1x1x1xf32>
      %reduce_max3A_104 = vector.extract %reduce_max3A_103[0, 0, 0] : f32 from vector<1x1x1xf32>
      %swap3A_105 = arith.constant 4 : index
      %swap3A_106 = arith.constant 0 : index
      %swap3A_107 = memref.load %arg8[%swap3A_105, %swap3A_106] : memref<8x2xf32, #tpu.memory_space<smem>>
      memref.store %reduce_max3A_104, %arg8[%swap3A_105, %swap3A_106] : memref<8x2xf32, #tpu.memory_space<smem>>
      %get3A_108 = arith.constant 128 : index
      %get3A_109 = arith.constant 128 : index
      %get3A_110 = vector.load %arg7[%get3A_108, %get3A_109] : memref<256x256xf32, #tpu.memory_space<vmem>>, vector<32x128xf32>
      %reduce_max3A_111 = vector.shape_cast %get3A_110 : vector<32x128xf32> to vector<1x32x128xf32>
      %reduce_max3A_112 = arith.constant dense<0xFF800000> : vector<1xf32>
      %reduce_max3A_113 = vector.multi_reduction <maximumf>, %reduce_max3A_111, %reduce_max3A_112 [1, 2] : vector<1x32x128xf32> to vector<1xf32>
      %reduce_max3A_114 = vector.shape_cast %reduce_max3A_113 : vector<1xf32> to vector<1x1x1xf32>
      %reduce_max3A_115 = vector.extract %reduce_max3A_114[0, 0, 0] : f32 from vector<1x1x1xf32>
      %swap3A_116 = arith.constant 4 : index
      %swap3A_117 = arith.constant 1 : index
      %swap3A_118 = memref.load %arg8[%swap3A_116, %swap3A_117] : memref<8x2xf32, #tpu.memory_space<smem>>
      memref.store %reduce_max3A_115, %arg8[%swap3A_116, %swap3A_117] : memref<8x2xf32, #tpu.memory_space<smem>>
      %get3A_119 = arith.constant 160 : index
      %get3A_120 = arith.constant 0 : index
      %get3A_121 = vector.load %arg7[%get3A_119, %get3A_120] : memref<256x256xf32, #tpu.memory_space<vmem>>, vector<32x128xf32>
      %reduce_max3A_122 = vector.shape_cast %get3A_121 : vector<32x128xf32> to vector<1x32x128xf32>
      %reduce_max3A_123 = arith.constant dense<0xFF800000> : vector<1xf32>
      %reduce_max3A_124 = vector.multi_reduction <maximumf>, %reduce_max3A_122, %reduce_max3A_123 [1, 2] : vector<1x32x128xf32> to vector<1xf32>
      %reduce_max3A_125 = vector.shape_cast %reduce_max3A_124 : vector<1xf32> to vector<1x1x1xf32>
      %reduce_max3A_126 = vector.extract %reduce_max3A_125[0, 0, 0] : f32 from vector<1x1x1xf32>
      %swap3A_127 = arith.constant 5 : index
      %swap3A_128 = arith.constant 0 : index
      %swap3A_129 = memref.load %arg8[%swap3A_127, %swap3A_128] : memref<8x2xf32, #tpu.memory_space<smem>>
      memref.store %reduce_max3A_126, %arg8[%swap3A_127, %swap3A_128] : memref<8x2xf32, #tpu.memory_space<smem>>
      %get3A_130 = arith.constant 160 : index
      %get3A_131 = arith.constant 128 : index
      %get3A_132 = vector.load %arg7[%get3A_130, %get3A_131] : memref<256x256xf32, #tpu.memory_space<vmem>>, vector<32x128xf32>
      %reduce_max3A_133 = vector.shape_cast %get3A_132 : vector<32x128xf32> to vector<1x32x128xf32>
      %reduce_max3A_134 = arith.constant dense<0xFF800000> : vector<1xf32>
      %reduce_max3A_135 = vector.multi_reduction <maximumf>, %reduce_max3A_133, %reduce_max3A_134 [1, 2] : vector<1x32x128xf32> to vector<1xf32>
      %reduce_max3A_136 = vector.shape_cast %reduce_max3A_135 : vector<1xf32> to vector<1x1x1xf32>
      %reduce_max3A_137 = vector.extract %reduce_max3A_136[0, 0, 0] : f32 from vector<1x1x1xf32>
      %swap3A_138 = arith.constant 5 : index
      %swap3A_139 = arith.constant 1 : index
      %swap3A_140 = memref.load %arg8[%swap3A_138, %swap3A_139] : memref<8x2xf32, #tpu.memory_space<smem>>
      memref.store %reduce_max3A_137, %arg8[%swap3A_138, %swap3A_139] : memref<8x2xf32, #tpu.memory_space<smem>>
      %get3A_141 = arith.constant 192 : index
      %get3A_142 = arith.constant 0 : index
      %get3A_143 = vector.load %arg7[%get3A_141, %get3A_142] : memref<256x256xf32, #tpu.memory_space<vmem>>, vector<32x128xf32>
      %reduce_max3A_144 = vector.shape_cast %get3A_143 : vector<32x128xf32> to vector<1x32x128xf32>
      %reduce_max3A_145 = arith.constant dense<0xFF800000> : vector<1xf32>
      %reduce_max3A_146 = vector.multi_reduction <maximumf>, %reduce_max3A_144, %reduce_max3A_145 [1, 2] : vector<1x32x128xf32> to vector<1xf32>
      %reduce_max3A_147 = vector.shape_cast %reduce_max3A_146 : vector<1xf32> to vector<1x1x1xf32>
      %reduce_max3A_148 = vector.extract %reduce_max3A_147[0, 0, 0] : f32 from vector<1x1x1xf32>
      %swap3A_149 = arith.constant 6 : index
      %swap3A_150 = arith.constant 0 : index
      %swap3A_151 = memref.load %arg8[%swap3A_149, %swap3A_150] : memref<8x2xf32, #tpu.memory_space<smem>>
      memref.store %reduce_max3A_148, %arg8[%swap3A_149, %swap3A_150] : memref<8x2xf32, #tpu.memory_space<smem>>
      %get3A_152 = arith.constant 192 : index
      %get3A_153 = arith.constant 128 : index
      %get3A_154 = vector.load %arg7[%get3A_152, %get3A_153] : memref<256x256xf32, #tpu.memory_space<vmem>>, vector<32x128xf32>
      %reduce_max3A_155 = vector.shape_cast %get3A_154 : vector<32x128xf32> to vector<1x32x128xf32>
      %reduce_max3A_156 = arith.constant dense<0xFF800000> : vector<1xf32>
      %reduce_max3A_157 = vector.multi_reduction <maximumf>, %reduce_max3A_155, %reduce_max3A_156 [1, 2] : vector<1x32x128xf32> to vector<1xf32>
      %reduce_max3A_158 = vector.shape_cast %reduce_max3A_157 : vector<1xf32> to vector<1x1x1xf32>
      %reduce_max3A_159 = vector.extract %reduce_max3A_158[0, 0, 0] : f32 from vector<1x1x1xf32>
      %swap3A_160 = arith.constant 6 : index
      %swap3A_161 = arith.constant 1 : index
      %swap3A_162 = memref.load %arg8[%swap3A_160, %swap3A_161] : memref<8x2xf32, #tpu.memory_space<smem>>
      memref.store %reduce_max3A_159, %arg8[%swap3A_160, %swap3A_161] : memref<8x2xf32, #tpu.memory_space<smem>>
      %get3A_163 = arith.constant 224 : index
      %get3A_164 = arith.constant 0 : index
      %get3A_165 = vector.load %arg7[%get3A_163, %get3A_164] : memref<256x256xf32, #tpu.memory_space<vmem>>, vector<32x128xf32>
      %reduce_max3A_166 = vector.shape_cast %get3A_165 : vector<32x128xf32> to vector<1x32x128xf32>
      %reduce_max3A_167 = arith.constant dense<0xFF800000> : vector<1xf32>
      %reduce_max3A_168 = vector.multi_reduction <maximumf>, %reduce_max3A_166, %reduce_max3A_167 [1, 2] : vector<1x32x128xf32> to vector<1xf32>
      %reduce_max3A_169 = vector.shape_cast %reduce_max3A_168 : vector<1xf32> to vector<1x1x1xf32>
      %reduce_max3A_170 = vector.extract %reduce_max3A_169[0, 0, 0] : f32 from vector<1x1x1xf32>
      %swap3A_171 = arith.constant 7 : index
      %swap3A_172 = arith.constant 0 : index
      %swap3A_173 = memref.load %arg8[%swap3A_171, %swap3A_172] : memref<8x2xf32, #tpu.memory_space<smem>>
      memref.store %reduce_max3A_170, %arg8[%swap3A_171, %swap3A_172] : memref<8x2xf32, #tpu.memory_space<smem>>
      %get3A_174 = arith.constant 224 : index
      %get3A_175 = arith.constant 128 : index
      %get3A_176 = vector.load %arg7[%get3A_174, %get3A_175] : memref<256x256xf32, #tpu.memory_space<vmem>>, vector<32x128xf32>
      %reduce_max3A_177 = vector.shape_cast %get3A_176 : vector<32x128xf32> to vector<1x32x128xf32>
      %reduce_max3A_178 = arith.constant dense<0xFF800000> : vector<1xf32>
      %reduce_max3A_179 = vector.multi_reduction <maximumf>, %reduce_max3A_177, %reduce_max3A_178 [1, 2] : vector<1x32x128xf32> to vector<1xf32>
      %reduce_max3A_180 = vector.shape_cast %reduce_max3A_179 : vector<1xf32> to vector<1x1x1xf32>
      %reduce_max3A_181 = vector.extract %reduce_max3A_180[0, 0, 0] : f32 from vector<1x1x1xf32>
      %swap3A_182 = arith.constant 7 : index
      %swap3A_183 = arith.constant 1 : index
      %swap3A_184 = memref.load %arg8[%swap3A_182, %swap3A_183] : memref<8x2xf32, #tpu.memory_space<smem>>
      memref.store %reduce_max3A_181, %arg8[%swap3A_182, %swap3A_183] : memref<8x2xf32, #tpu.memory_space<smem>>
    } else {
    }
    %iota3A = tpu.iota {dimensions = array<i32: 1>} : vector<32x128xi32>
    %iota3A_7 = tpu.iota {dimensions = array<i32: 0>} : vector<32x128xi32>
    %scan3A = arith.constant 0 : i32
    %scan3A_8 = arith.constant 128 : i32
    %scan3A_9 = arith.addi %scan3A, %scan3A_8 : i32
    %scan3A_10 = arith.constant 1 : i32
    scf.for %scan3A_12 = %scan3A to %scan3A_9 step %scan3A_10  : i32 {
      %mul3A_13 = arith.constant 3 : i32
      %mul3A_14 = arith.muli %mul3A_13, %scan3A_12 : i32
      %get3A = arith.index_cast %mul3A_14 : i32 to index
      %get3A_15 = arith.constant 0 : index
      %get3A_16 = memref.load %arg2[%get3A, %get3A_15] : memref<384x3xf32, #tpu.memory_space<smem>>
      %convert_element_type3A_17 = arith.fptosi %get3A_16 : f32 to i32
      %get3A_18 = arith.index_cast %mul3A_14 : i32 to index
      %get3A_19 = arith.constant 1 : index
      %get3A_20 = memref.load %arg2[%get3A_18, %get3A_19] : memref<384x3xf32, #tpu.memory_space<smem>>
      %convert_element_type3A_21 = arith.fptosi %get3A_20 : f32 to i32
      %get3A_22 = arith.index_cast %mul3A_14 : i32 to index
      %get3A_23 = arith.constant 2 : index
      %get3A_24 = memref.load %arg2[%get3A_22, %get3A_23] : memref<384x3xf32, #tpu.memory_space<smem>>
      %add3A = arith.constant 1 : i32
      %add3A_25 = arith.addi %mul3A_14, %add3A : i32
      %get3A_26 = arith.index_cast %add3A_25 : i32 to index
      %get3A_27 = arith.constant 0 : index
      %get3A_28 = memref.load %arg2[%get3A_26, %get3A_27] : memref<384x3xf32, #tpu.memory_space<smem>>
      %convert_element_type3A_29 = arith.fptosi %get3A_28 : f32 to i32
      %add3A_30 = arith.constant 1 : i32
      %add3A_31 = arith.addi %mul3A_14, %add3A_30 : i32
      %get3A_32 = arith.index_cast %add3A_31 : i32 to index
      %get3A_33 = arith.constant 1 : index
      %get3A_34 = memref.load %arg2[%get3A_32, %get3A_33] : memref<384x3xf32, #tpu.memory_space<smem>>
      %convert_element_type3A_35 = arith.fptosi %get3A_34 : f32 to i32
      %add3A_36 = arith.constant 1 : i32
      %add3A_37 = arith.addi %mul3A_14, %add3A_36 : i32
      %get3A_38 = arith.index_cast %add3A_37 : i32 to index
      %get3A_39 = arith.constant 2 : index
      %get3A_40 = memref.load %arg2[%get3A_38, %get3A_39] : memref<384x3xf32, #tpu.memory_space<smem>>
      %add3A_41 = arith.constant 2 : i32
      %add3A_42 = arith.addi %mul3A_14, %add3A_41 : i32
      %get3A_43 = arith.index_cast %add3A_42 : i32 to index
      %get3A_44 = arith.constant 0 : index
      %get3A_45 = memref.load %arg2[%get3A_43, %get3A_44] : memref<384x3xf32, #tpu.memory_space<smem>>
      %convert_element_type3A_46 = arith.fptosi %get3A_45 : f32 to i32
      %add3A_47 = arith.constant 2 : i32
      %add3A_48 = arith.addi %mul3A_14, %add3A_47 : i32
      %get3A_49 = arith.index_cast %add3A_48 : i32 to index
      %get3A_50 = arith.constant 1 : index
      %get3A_51 = memref.load %arg2[%get3A_49, %get3A_50] : memref<384x3xf32, #tpu.memory_space<smem>>
      %convert_element_type3A_52 = arith.fptosi %get3A_51 : f32 to i32
      %add3A_53 = arith.constant 2 : i32
      %add3A_54 = arith.addi %mul3A_14, %add3A_53 : i32
      %get3A_55 = arith.index_cast %add3A_54 : i32 to index
      %get3A_56 = arith.constant 2 : index
      %get3A_57 = memref.load %arg2[%get3A_55, %get3A_56] : memref<384x3xf32, #tpu.memory_space<smem>>
      %sub3A = arith.subi %convert_element_type3A_35, %convert_element_type3A_52 : i32
      %sub3A_58 = arith.subi %convert_element_type3A_46, %convert_element_type3A_29 : i32
      %sub3A_59 = arith.subi %convert_element_type3A_52, %convert_element_type3A_21 : i32
      %sub3A_60 = arith.subi %convert_element_type3A_17, %convert_element_type3A_46 : i32
      %mul3A_61 = arith.muli %sub3A, %convert_element_type3A_46 : i32
      %mul3A_62 = arith.muli %sub3A_58, %convert_element_type3A_52 : i32
      %add3A_63 = arith.addi %mul3A_61, %mul3A_62 : i32
      %neg3A = arith.constant 0 : i32
      %neg3A_64 = arith.subi %neg3A, %add3A_63 : i32
      %mul3A_65 = arith.muli %sub3A_59, %convert_element_type3A_46 : i32
      %mul3A_66 = arith.muli %sub3A_60, %convert_element_type3A_52 : i32
      %add3A_67 = arith.addi %mul3A_65, %mul3A_66 : i32
      %neg3A_68 = arith.constant 0 : i32
      %neg3A_69 = arith.subi %neg3A_68, %add3A_67 : i32
      %mul3A_70 = arith.muli %sub3A, %convert_element_type3A_17 : i32
      %mul3A_71 = arith.muli %sub3A_58, %convert_element_type3A_21 : i32
      %add3A_72 = arith.addi %mul3A_70, %mul3A_71 : i32
      %add3A_73 = arith.addi %add3A_72, %neg3A_64 : i32
      %convert_element_type3A_74 = arith.sitofp %add3A_73 : i32 to f32
      %div3A = arith.constant 1.000000e+00 : f32
      %div3A_75 = arith.divf %div3A, %convert_element_type3A_74 : f32
      %min3A = arith.minsi %convert_element_type3A_17, %convert_element_type3A_29 : i32
      %min3A_76 = arith.minsi %min3A, %convert_element_type3A_46 : i32
      %max3A = arith.maxsi %convert_element_type3A_17, %convert_element_type3A_29 : i32
      %max3A_77 = arith.maxsi %max3A, %convert_element_type3A_46 : i32
      %min3A_78 = arith.minsi %convert_element_type3A_21, %convert_element_type3A_35 : i32
      %min3A_79 = arith.minsi %min3A_78, %convert_element_type3A_52 : i32
      %max3A_80 = arith.maxsi %convert_element_type3A_21, %convert_element_type3A_35 : i32
      %max3A_81 = arith.maxsi %max3A_80, %convert_element_type3A_52 : i32
      %ne3A = arith.constant 0 : i32
      %ne3A_82 = arith.cmpi ne, %add3A_73, %ne3A : i32
      %ge3A = arith.constant 0 : i32
      %ge3A_83 = arith.cmpi sge, %max3A_77, %ge3A : i32
      %and3A = arith.andi %ne3A_82, %ge3A_83 : i1
      %lt3A = arith.constant 256 : i32
      %lt3A_84 = arith.cmpi slt, %min3A_76, %lt3A : i32
      %and3A_85 = arith.andi %and3A, %lt3A_84 : i1
      %ge3A_86 = arith.cmpi sge, %max3A_81, %mul3A_0 : i32
      %and3A_87 = arith.andi %and3A_85, %ge3A_86 : i1
      %add3A_88 = arith.constant 256 : i32
      %add3A_89 = arith.addi %mul3A_0, %add3A_88 : i32
      %lt3A_90 = arith.cmpi slt, %min3A_79, %add3A_89 : i32
      %and3A_91 = arith.andi %and3A_87, %lt3A_90 : i1
      %min3A_92 = arith.minimumf %get3A_24, %get3A_40 : f32
      %min3A_93 = arith.minimumf %min3A_92, %get3A_57 : f32
      %abs3A = math.absf %get3A_24 : f32
      %abs3A_94 = math.absf %get3A_40 : f32
      %max3A_95 = arith.maximumf %abs3A, %abs3A_94 : f32
      %abs3A_96 = math.absf %get3A_57 : f32
      %max3A_97 = arith.maximumf %max3A_95, %abs3A_96 : f32
      %mul3A_98 = arith.constant 9.99999974E-6 : f32
      %mul3A_99 = arith.mulf %mul3A_98, %max3A_97 : f32
      %sub3A_100 = arith.subf %min3A_93, %mul3A_99 : f32
      %convert_element_type3A_101 = arith.extui %and3A_91 : i1 to i32
      %cond3A_102 = arith.constant 0 : i32
      %cond3A_103 = arith.cmpi ne, %convert_element_type3A_101, %cond3A_102 : i32
      scf.if %cond3A_103 {
        %mul3A_104 = vector.broadcast %sub3A : i32 to vector<32x128xi32>
        %mul3A_105 = arith.muli %mul3A_104, %iota3A : vector<32x128xi32>
        %mul3A_106 = vector.broadcast %sub3A_58 : i32 to vector<32x128xi32>
        %mul3A_107 = arith.muli %mul3A_106, %iota3A_7 : vector<32x128xi32>
        %add3A_108 = arith.addi %mul3A_105, %mul3A_107 : vector<32x128xi32>
        %mul3A_109 = vector.broadcast %sub3A_59 : i32 to vector<32x128xi32>
        %mul3A_110 = arith.muli %mul3A_109, %iota3A : vector<32x128xi32>
        %mul3A_111 = vector.broadcast %sub3A_60 : i32 to vector<32x128xi32>
        %mul3A_112 = arith.muli %mul3A_111, %iota3A_7 : vector<32x128xi32>
        %add3A_113 = arith.addi %mul3A_110, %mul3A_112 : vector<32x128xi32>
        %sub3A_114 = arith.subi %min3A_79, %mul3A_0 : i32
        %max3A_115 = arith.constant 0 : i32
        %max3A_116 = arith.maxsi %sub3A_114, %max3A_115 : i32
        %jit3A = arith.constant 32 : i32
        %div3A_117 = arith.divsi %max3A_116, %jit3A : i32
        %sign3A = arith.constant 0 : i32
        %sign3A_118 = arith.cmpi sgt, %max3A_116, %sign3A : i32
        %sign3A_119 = arith.extui %sign3A_118 : i1 to i32
        %sign3A_120 = arith.constant 0 : i32
        %sign3A_121 = arith.cmpi slt, %max3A_116, %sign3A_120 : i32
        %sign3A_122 = arith.extui %sign3A_121 : i1 to i32
        %sign3A_123 = arith.subi %sign3A_119, %sign3A_122 : i32
        %sign3A_124 = arith.constant 0 : i32
        %sign3A_125 = arith.cmpi sgt, %jit3A, %sign3A_124 : i32
        %sign3A_126 = arith.extui %sign3A_125 : i1 to i32
        %sign3A_127 = arith.constant 0 : i32
        %sign3A_128 = arith.cmpi slt, %jit3A, %sign3A_127 : i32
        %sign3A_129 = arith.extui %sign3A_128 : i1 to i32
        %sign3A_130 = arith.subi %sign3A_126, %sign3A_129 : i32
        %ne3A_131 = arith.cmpi ne, %sign3A_123, %sign3A_130 : i32
        %rem3A = arith.remsi %max3A_116, %jit3A : i32
        %ne3A_132 = arith.constant 0 : i32
        %ne3A_133 = arith.cmpi ne, %rem3A, %ne3A_132 : i32
        %and3A_134 = arith.andi %ne3A_131, %ne3A_133 : i1
        %sub3A_135 = arith.constant 1 : i32
        %sub3A_136 = arith.subi %div3A_117, %sub3A_135 : i32
        %select_n3A = arith.select %and3A_134, %sub3A_136, %div3A_117 : i32
        %sub3A_137 = arith.subi %max3A_81, %mul3A_0 : i32
        %min3A_138 = arith.constant 255 : i32
        %min3A_139 = arith.minsi %sub3A_137, %min3A_138 : i32
        %jit3A_140 = arith.constant 32 : i32
        %div3A_141 = arith.divsi %min3A_139, %jit3A_140 : i32
        %sign3A_142 = arith.constant 0 : i32
        %sign3A_143 = arith.cmpi sgt, %min3A_139, %sign3A_142 : i32
        %sign3A_144 = arith.extui %sign3A_143 : i1 to i32
        %sign3A_145 = arith.constant 0 : i32
        %sign3A_146 = arith.cmpi slt, %min3A_139, %sign3A_145 : i32
        %sign3A_147 = arith.extui %sign3A_146 : i1 to i32
        %sign3A_148 = arith.subi %sign3A_144, %sign3A_147 : i32
        %sign3A_149 = arith.constant 0 : i32
        %sign3A_150 = arith.cmpi sgt, %jit3A_140, %sign3A_149 : i32
        %sign3A_151 = arith.extui %sign3A_150 : i1 to i32
        %sign3A_152 = arith.constant 0 : i32
        %sign3A_153 = arith.cmpi slt, %jit3A_140, %sign3A_152 : i32
        %sign3A_154 = arith.extui %sign3A_153 : i1 to i32
        %sign3A_155 = arith.subi %sign3A_151, %sign3A_154 : i32
        %ne3A_156 = arith.cmpi ne, %sign3A_148, %sign3A_155 : i32
        %rem3A_157 = arith.remsi %min3A_139, %jit3A_140 : i32
        %ne3A_158 = arith.constant 0 : i32
        %ne3A_159 = arith.cmpi ne, %rem3A_157, %ne3A_158 : i32
        %and3A_160 = arith.andi %ne3A_156, %ne3A_159 : i1
        %sub3A_161 = arith.constant 1 : i32
        %sub3A_162 = arith.subi %div3A_141, %sub3A_161 : i32
        %select_n3A_163 = arith.select %and3A_160, %sub3A_162, %div3A_141 : i32
        %max3A_164 = arith.constant 0 : i32
        %max3A_165 = arith.maxsi %min3A_76, %max3A_164 : i32
        %jit3A_166 = arith.constant 128 : i32
        %div3A_167 = arith.divsi %max3A_165, %jit3A_166 : i32
        %sign3A_168 = arith.constant 0 : i32
        %sign3A_169 = arith.cmpi sgt, %max3A_165, %sign3A_168 : i32
        %sign3A_170 = arith.extui %sign3A_169 : i1 to i32
        %sign3A_171 = arith.constant 0 : i32
        %sign3A_172 = arith.cmpi slt, %max3A_165, %sign3A_171 : i32
        %sign3A_173 = arith.extui %sign3A_172 : i1 to i32
        %sign3A_174 = arith.subi %sign3A_170, %sign3A_173 : i32
        %sign3A_175 = arith.constant 0 : i32
        %sign3A_176 = arith.cmpi sgt, %jit3A_166, %sign3A_175 : i32
        %sign3A_177 = arith.extui %sign3A_176 : i1 to i32
        %sign3A_178 = arith.constant 0 : i32
        %sign3A_179 = arith.cmpi slt, %jit3A_166, %sign3A_178 : i32
        %sign3A_180 = arith.extui %sign3A_179 : i1 to i32
        %sign3A_181 = arith.subi %sign3A_177, %sign3A_180 : i32
        %ne3A_182 = arith.cmpi ne, %sign3A_174, %sign3A_181 : i32
        %rem3A_183 = arith.remsi %max3A_165, %jit3A_166 : i32
        %ne3A_184 = arith.constant 0 : i32
        %ne3A_185 = arith.cmpi ne, %rem3A_183, %ne3A_184 : i32
        %and3A_186 = arith.andi %ne3A_182, %ne3A_185 : i1
        %sub3A_187 = arith.constant 1 : i32
        %sub3A_188 = arith.subi %div3A_167, %sub3A_187 : i32
        %select_n3A_189 = arith.select %and3A_186, %sub3A_188, %div3A_167 : i32
        %min3A_190 = arith.constant 255 : i32
        %min3A_191 = arith.minsi %max3A_77, %min3A_190 : i32
        %jit3A_192 = arith.constant 128 : i32
        %div3A_193 = arith.divsi %min3A_191, %jit3A_192 : i32
        %sign3A_194 = arith.constant 0 : i32
        %sign3A_195 = arith.cmpi sgt, %min3A_191, %sign3A_194 : i32
        %sign3A_196 = arith.extui %sign3A_195 : i1 to i32
        %sign3A_197 = arith.constant 0 : i32
        %sign3A_198 = arith.cmpi slt, %min3A_191, %sign3A_197 : i32
        %sign3A_199 = arith.extui %sign3A_198 : i1 to i32
        %sign3A_200 = arith.subi %sign3A_196, %sign3A_199 : i32
        %sign3A_201 = arith.constant 0 : i32
        %sign3A_202 = arith.cmpi sgt, %jit3A_192, %sign3A_201 : i32
        %sign3A_203 = arith.extui %sign3A_202 : i1 to i32
        %sign3A_204 = arith.constant 0 : i32
        %sign3A_205 = arith.cmpi slt, %jit3A_192, %sign3A_204 : i32
        %sign3A_206 = arith.extui %sign3A_205 : i1 to i32
        %sign3A_207 = arith.subi %sign3A_203, %sign3A_206 : i32
        %ne3A_208 = arith.cmpi ne, %sign3A_200, %sign3A_207 : i32
        %rem3A_209 = arith.remsi %min3A_191, %jit3A_192 : i32
        %ne3A_210 = arith.constant 0 : i32
        %ne3A_211 = arith.cmpi ne, %rem3A_209, %ne3A_210 : i32
        %and3A_212 = arith.andi %ne3A_208, %ne3A_211 : i1
        %sub3A_213 = arith.constant 1 : i32
        %sub3A_214 = arith.subi %div3A_193, %sub3A_213 : i32
        %select_n3A_215 = arith.select %and3A_212, %sub3A_214, %div3A_193 : i32
        %mul3A_216 = arith.constant 128 : i32
        %mul3A_217 = arith.muli %arg1, %mul3A_216 : i32
        %add3A_218 = arith.addi %mul3A_217, %scan3A_12 : i32
        %add3A_219 = arith.constant 1 : i32
        %add3A_220 = arith.addi %add3A_218, %add3A_219 : i32
        %convert_element_type3A_221 = arith.sitofp %add3A_220 : i32 to f32
        %add3A_222 = arith.constant 1 : i32
        %add3A_223 = arith.addi %select_n3A_163, %add3A_222 : i32
        %while3A = arith.constant 0 : i32
        %while3A_224 = arith.subi %add3A_223, %select_n3A : i32
        %while3A_225 = arith.addi %select_n3A, %while3A_224 : i32
        %while3A_226 = arith.constant 1 : i32
        %while3A_227 = arith.divsi %while3A_224, %while3A_226 : i32
        %while3A_228 = arith.muli %while3A_227, %while3A_226 : i32
        %while3A_229 = arith.addi %select_n3A, %while3A_228 : i32
        %while3A_230 = arith.constant 1 : i32
        scf.for %while3A_232 = %select_n3A to %while3A_229 step %while3A_230  : i32 {
          %mul3A_233 = arith.constant 32 : i32
          %mul3A_234 = arith.muli %while3A_232, %mul3A_233 : i32
          %multiple_of3A = tpu.assume_multiple %mul3A_234, 32 : i32
          %le3A = arith.constant 0 : i32
          %le3A_235 = arith.cmpi sle, %select_n3A_189, %le3A : i32
          %ge3A_236 = arith.constant 0 : i32
          %ge3A_237 = arith.cmpi sge, %select_n3A_215, %ge3A_236 : i32
          %and3A_238 = arith.andi %le3A_235, %ge3A_237 : i1
          %get3A_239 = arith.index_cast %while3A_232 : i32 to index
          %get3A_240 = arith.constant 0 : index
          %get3A_241 = memref.load %arg8[%get3A_239, %get3A_240] : memref<8x2xf32, #tpu.memory_space<smem>>
          %le3A_242 = arith.cmpf ole, %sub3A_100, %get3A_241 : f32
          %and3A_243 = arith.andi %and3A_238, %le3A_242 : i1
          %convert_element_type3A_244 = arith.extui %and3A_243 : i1 to i32
          %cond3A_245 = arith.constant 0 : i32
          %cond3A_246 = arith.cmpi ne, %convert_element_type3A_244, %cond3A_245 : i32
          scf.if %cond3A_246 {
            %mul3A_260 = arith.constant 32 : i32
            %mul3A_261 = arith.muli %while3A_232, %mul3A_260 : i32
            %add3A_262 = arith.addi %mul3A_0, %mul3A_261 : i32
            %mul3A_263 = arith.muli %sub3A_58, %add3A_262 : i32
            %add3A_264 = arith.addi %neg3A_64, %mul3A_263 : i32
            %mul3A_265 = arith.constant 0 : i32
            %mul3A_266 = arith.muli %sub3A, %mul3A_265 : i32
            %add3A_267 = arith.addi %add3A_264, %mul3A_266 : i32
            %mul3A_268 = arith.muli %sub3A_60, %add3A_262 : i32
            %add3A_269 = arith.addi %neg3A_69, %mul3A_268 : i32
            %mul3A_270 = arith.constant 0 : i32
            %mul3A_271 = arith.muli %sub3A_59, %mul3A_270 : i32
            %add3A_272 = arith.addi %add3A_269, %mul3A_271 : i32
            %add3A_273 = vector.broadcast %add3A_267 : i32 to vector<32x128xi32>
            %add3A_274 = arith.addi %add3A_108, %add3A_273 : vector<32x128xi32>
            %convert_element_type3A_275 = arith.sitofp %add3A_274 : vector<32x128xi32> to vector<32x128xf32>
            %add3A_276 = vector.broadcast %add3A_272 : i32 to vector<32x128xi32>
            %add3A_277 = arith.addi %add3A_113, %add3A_276 : vector<32x128xi32>
            %convert_element_type3A_278 = arith.sitofp %add3A_277 : vector<32x128xi32> to vector<32x128xf32>
            %mul3A_279 = vector.broadcast %div3A_75 : f32 to vector<32x128xf32>
            %mul3A_280 = arith.mulf %convert_element_type3A_275, %mul3A_279 : vector<32x128xf32>
            %mul3A_281 = vector.broadcast %div3A_75 : f32 to vector<32x128xf32>
            %mul3A_282 = arith.mulf %convert_element_type3A_278, %mul3A_281 : vector<32x128xf32>
            %sub3A_283 = arith.constant 1.000000e+00 : f32
            %sub3A_284 = vector.broadcast %sub3A_283 : f32 to vector<32x128xf32>
            %sub3A_285 = arith.subf %sub3A_284, %mul3A_280 : vector<32x128xf32>
            %sub3A_286 = arith.subf %sub3A_285, %mul3A_282 : vector<32x128xf32>
            %mul3A_287 = vector.broadcast %get3A_24 : f32 to vector<32x128xf32>
            %mul3A_288 = arith.mulf %mul3A_280, %mul3A_287 : vector<32x128xf32>
            %mul3A_289 = vector.broadcast %get3A_40 : f32 to vector<32x128xf32>
            %mul3A_290 = arith.mulf %mul3A_282, %mul3A_289 : vector<32x128xf32>
            %add3A_291 = arith.addf %mul3A_288, %mul3A_290 : vector<32x128xf32>
            %mul3A_292 = vector.broadcast %get3A_57 : f32 to vector<32x128xf32>
            %mul3A_293 = arith.mulf %sub3A_286, %mul3A_292 : vector<32x128xf32>
            %add3A_294 = arith.addf %add3A_291, %mul3A_293 : vector<32x128xf32>
            %min3A_295 = arith.minimumf %mul3A_280, %mul3A_282 : vector<32x128xf32>
            %min3A_296 = arith.minimumf %min3A_295, %sub3A_286 : vector<32x128xf32>
            %ge3A_297 = arith.constant 0.000000e+00 : f32
            %ge3A_298 = vector.broadcast %ge3A_297 : f32 to vector<32x128xf32>
            %ge3A_299 = arith.cmpf oge, %min3A_296, %ge3A_298 : vector<32x128xf32>
            %jit3A_300 = arith.constant 0x7F800000 : f32
            %broadcast_in_dim3A = vector.broadcast %jit3A_300 : f32 to vector<32x128xf32>
            %select_n3A_301 = arith.select %ge3A_299, %add3A_294, %broadcast_in_dim3A : vector<32x128xi1>, vector<32x128xf32>
            %get3A_302 = arith.index_cast %multiple_of3A : i32 to index
            %get3A_303 = arith.constant 0 : index
            %get3A_304 = vector.load %arg7[%get3A_302, %get3A_303] : memref<256x256xf32, #tpu.memory_space<vmem>>, vector<32x128xf32>
            %lt3A_305 = arith.cmpf olt, %select_n3A_301, %get3A_304 : vector<32x128xf32>
            %select_n3A_306 = arith.select %lt3A_305, %select_n3A_301, %get3A_304 : vector<32x128xi1>, vector<32x128xf32>
            %swap3A = arith.index_cast %multiple_of3A : i32 to index
            %swap3A_307 = arith.constant 0 : index
            %swap3A_308 = vector.load %arg7[%swap3A, %swap3A_307] : memref<256x256xf32, #tpu.memory_space<vmem>>, vector<32x128xf32>
            tpu.vector_store %arg7[%swap3A, %swap3A_307], %select_n3A_306 {strides = array<i32>} : memref<256x256xf32, #tpu.memory_space<vmem>>, vector<32x128xf32>,
            %get3A_309 = arith.index_cast %multiple_of3A : i32 to index
            %get3A_310 = arith.constant 0 : index
            %get3A_311 = vector.load %arg3[%get3A_309, %get3A_310] : memref<256x256xf32, #tpu.memory_space<vmem>>, vector<32x128xf32>
            %select_n3A_312 = arith.select %lt3A_305, %mul3A_280, %get3A_311 : vector<32x128xi1>, vector<32x128xf32>
            %swap3A_313 = arith.index_cast %multiple_of3A : i32 to index
            %swap3A_314 = arith.constant 0 : index
            %swap3A_315 = vector.load %arg3[%swap3A_313, %swap3A_314] : memref<256x256xf32, #tpu.memory_space<vmem>>, vector<32x128xf32>
            tpu.vector_store %arg3[%swap3A_313, %swap3A_314], %select_n3A_312 {strides = array<i32>} : memref<256x256xf32, #tpu.memory_space<vmem>>, vector<32x128xf32>,
            %get3A_316 = arith.index_cast %multiple_of3A : i32 to index
            %get3A_317 = arith.constant 0 : index
            %get3A_318 = vector.load %arg4[%get3A_316, %get3A_317] : memref<256x256xf32, #tpu.memory_space<vmem>>, vector<32x128xf32>
            %select_n3A_319 = arith.select %lt3A_305, %mul3A_282, %get3A_318 : vector<32x128xi1>, vector<32x128xf32>
            %swap3A_320 = arith.index_cast %multiple_of3A : i32 to index
            %swap3A_321 = arith.constant 0 : index
            %swap3A_322 = vector.load %arg4[%swap3A_320, %swap3A_321] : memref<256x256xf32, #tpu.memory_space<vmem>>, vector<32x128xf32>
            tpu.vector_store %arg4[%swap3A_320, %swap3A_321], %select_n3A_319 {strides = array<i32>} : memref<256x256xf32, #tpu.memory_space<vmem>>, vector<32x128xf32>,
            %get3A_323 = arith.index_cast %multiple_of3A : i32 to index
            %get3A_324 = arith.constant 0 : index
            %get3A_325 = vector.load %arg5[%get3A_323, %get3A_324] : memref<256x256xf32, #tpu.memory_space<vmem>>, vector<32x128xf32>
            %select_n3A_326 = arith.select %lt3A_305, %sub3A_286, %get3A_325 : vector<32x128xi1>, vector<32x128xf32>
            %swap3A_327 = arith.index_cast %multiple_of3A : i32 to index
            %swap3A_328 = arith.constant 0 : index
            %swap3A_329 = vector.load %arg5[%swap3A_327, %swap3A_328] : memref<256x256xf32, #tpu.memory_space<vmem>>, vector<32x128xf32>
            tpu.vector_store %arg5[%swap3A_327, %swap3A_328], %select_n3A_326 {strides = array<i32>} : memref<256x256xf32, #tpu.memory_space<vmem>>, vector<32x128xf32>,
            %get3A_330 = arith.index_cast %multiple_of3A : i32 to index
            %get3A_331 = arith.constant 0 : index
            %get3A_332 = vector.load %arg6[%get3A_330, %get3A_331] : memref<256x256xf32, #tpu.memory_space<vmem>>, vector<32x128xf32>
            %broadcast_in_dim3A_333 = vector.broadcast %convert_element_type3A_221 : f32 to vector<32x128xf32>
            %select_n3A_334 = arith.select %lt3A_305, %broadcast_in_dim3A_333, %get3A_332 : vector<32x128xi1>, vector<32x128xf32>
            %swap3A_335 = arith.index_cast %multiple_of3A : i32 to index
            %swap3A_336 = arith.constant 0 : index
            %swap3A_337 = vector.load %arg6[%swap3A_335, %swap3A_336] : memref<256x256xf32, #tpu.memory_space<vmem>>, vector<32x128xf32>
            tpu.vector_store %arg6[%swap3A_335, %swap3A_336], %select_n3A_334 {strides = array<i32>} : memref<256x256xf32, #tpu.memory_space<vmem>>, vector<32x128xf32>,
          } else {
          }
          %le3A_247 = arith.constant 1 : i32
          %le3A_248 = arith.cmpi sle, %select_n3A_189, %le3A_247 : i32
          %ge3A_249 = arith.constant 1 : i32
          %ge3A_250 = arith.cmpi sge, %select_n3A_215, %ge3A_249 : i32
          %and3A_251 = arith.andi %le3A_248, %ge3A_250 : i1
          %get3A_252 = arith.index_cast %while3A_232 : i32 to index
          %get3A_253 = arith.constant 1 : index
          %get3A_254 = memref.load %arg8[%get3A_252, %get3A_253] : memref<8x2xf32, #tpu.memory_space<smem>>
          %le3A_255 = arith.cmpf ole, %sub3A_100, %get3A_254 : f32
          %and3A_256 = arith.andi %and3A_251, %le3A_255 : i1
          %convert_element_type3A_257 = arith.extui %and3A_256 : i1 to i32
          %cond3A_258 = arith.constant 0 : i32
          %cond3A_259 = arith.cmpi ne, %convert_element_type3A_257, %cond3A_258 : i32
          scf.if %cond3A_259 {
            %mul3A_260 = arith.constant 32 : i32
            %mul3A_261 = arith.muli %while3A_232, %mul3A_260 : i32
            %add3A_262 = arith.addi %mul3A_0, %mul3A_261 : i32
            %mul3A_263 = arith.muli %sub3A_58, %add3A_262 : i32
            %add3A_264 = arith.addi %neg3A_64, %mul3A_263 : i32
            %mul3A_265 = arith.constant 128 : i32
            %mul3A_266 = arith.muli %sub3A, %mul3A_265 : i32
            %add3A_267 = arith.addi %add3A_264, %mul3A_266 : i32
            %mul3A_268 = arith.muli %sub3A_60, %add3A_262 : i32
            %add3A_269 = arith.addi %neg3A_69, %mul3A_268 : i32
            %mul3A_270 = arith.constant 128 : i32
            %mul3A_271 = arith.muli %sub3A_59, %mul3A_270 : i32
            %add3A_272 = arith.addi %add3A_269, %mul3A_271 : i32
            %add3A_273 = vector.broadcast %add3A_267 : i32 to vector<32x128xi32>
            %add3A_274 = arith.addi %add3A_108, %add3A_273 : vector<32x128xi32>
            %convert_element_type3A_275 = arith.sitofp %add3A_274 : vector<32x128xi32> to vector<32x128xf32>
            %add3A_276 = vector.broadcast %add3A_272 : i32 to vector<32x128xi32>
            %add3A_277 = arith.addi %add3A_113, %add3A_276 : vector<32x128xi32>
            %convert_element_type3A_278 = arith.sitofp %add3A_277 : vector<32x128xi32> to vector<32x128xf32>
            %mul3A_279 = vector.broadcast %div3A_75 : f32 to vector<32x128xf32>
            %mul3A_280 = arith.mulf %convert_element_type3A_275, %mul3A_279 : vector<32x128xf32>
            %mul3A_281 = vector.broadcast %div3A_75 : f32 to vector<32x128xf32>
            %mul3A_282 = arith.mulf %convert_element_type3A_278, %mul3A_281 : vector<32x128xf32>
            %sub3A_283 = arith.constant 1.000000e+00 : f32
            %sub3A_284 = vector.broadcast %sub3A_283 : f32 to vector<32x128xf32>
            %sub3A_285 = arith.subf %sub3A_284, %mul3A_280 : vector<32x128xf32>
            %sub3A_286 = arith.subf %sub3A_285, %mul3A_282 : vector<32x128xf32>
            %mul3A_287 = vector.broadcast %get3A_24 : f32 to vector<32x128xf32>
            %mul3A_288 = arith.mulf %mul3A_280, %mul3A_287 : vector<32x128xf32>
            %mul3A_289 = vector.broadcast %get3A_40 : f32 to vector<32x128xf32>
            %mul3A_290 = arith.mulf %mul3A_282, %mul3A_289 : vector<32x128xf32>
            %add3A_291 = arith.addf %mul3A_288, %mul3A_290 : vector<32x128xf32>
            %mul3A_292 = vector.broadcast %get3A_57 : f32 to vector<32x128xf32>
            %mul3A_293 = arith.mulf %sub3A_286, %mul3A_292 : vector<32x128xf32>
            %add3A_294 = arith.addf %add3A_291, %mul3A_293 : vector<32x128xf32>
            %min3A_295 = arith.minimumf %mul3A_280, %mul3A_282 : vector<32x128xf32>
            %min3A_296 = arith.minimumf %min3A_295, %sub3A_286 : vector<32x128xf32>
            %ge3A_297 = arith.constant 0.000000e+00 : f32
            %ge3A_298 = vector.broadcast %ge3A_297 : f32 to vector<32x128xf32>
            %ge3A_299 = arith.cmpf oge, %min3A_296, %ge3A_298 : vector<32x128xf32>
            %jit3A_300 = arith.constant 0x7F800000 : f32
            %broadcast_in_dim3A = vector.broadcast %jit3A_300 : f32 to vector<32x128xf32>
            %select_n3A_301 = arith.select %ge3A_299, %add3A_294, %broadcast_in_dim3A : vector<32x128xi1>, vector<32x128xf32>
            %get3A_302 = arith.index_cast %multiple_of3A : i32 to index
            %get3A_303 = arith.constant 128 : index
            %get3A_304 = vector.load %arg7[%get3A_302, %get3A_303] : memref<256x256xf32, #tpu.memory_space<vmem>>, vector<32x128xf32>
            %lt3A_305 = arith.cmpf olt, %select_n3A_301, %get3A_304 : vector<32x128xf32>
            %select_n3A_306 = arith.select %lt3A_305, %select_n3A_301, %get3A_304 : vector<32x128xi1>, vector<32x128xf32>
            %swap3A = arith.index_cast %multiple_of3A : i32 to index
            %swap3A_307 = arith.constant 128 : index
            %swap3A_308 = vector.load %arg7[%swap3A, %swap3A_307] : memref<256x256xf32, #tpu.memory_space<vmem>>, vector<32x128xf32>
            tpu.vector_store %arg7[%swap3A, %swap3A_307], %select_n3A_306 {strides = array<i32>} : memref<256x256xf32, #tpu.memory_space<vmem>>, vector<32x128xf32>,
            %get3A_309 = arith.index_cast %multiple_of3A : i32 to index
            %get3A_310 = arith.constant 128 : index
            %get3A_311 = vector.load %arg3[%get3A_309, %get3A_310] : memref<256x256xf32, #tpu.memory_space<vmem>>, vector<32x128xf32>
            %select_n3A_312 = arith.select %lt3A_305, %mul3A_280, %get3A_311 : vector<32x128xi1>, vector<32x128xf32>
            %swap3A_313 = arith.index_cast %multiple_of3A : i32 to index
            %swap3A_314 = arith.constant 128 : index
            %swap3A_315 = vector.load %arg3[%swap3A_313, %swap3A_314] : memref<256x256xf32, #tpu.memory_space<vmem>>, vector<32x128xf32>
            tpu.vector_store %arg3[%swap3A_313, %swap3A_314], %select_n3A_312 {strides = array<i32>} : memref<256x256xf32, #tpu.memory_space<vmem>>, vector<32x128xf32>,
            %get3A_316 = arith.index_cast %multiple_of3A : i32 to index
            %get3A_317 = arith.constant 128 : index
            %get3A_318 = vector.load %arg4[%get3A_316, %get3A_317] : memref<256x256xf32, #tpu.memory_space<vmem>>, vector<32x128xf32>
            %select_n3A_319 = arith.select %lt3A_305, %mul3A_282, %get3A_318 : vector<32x128xi1>, vector<32x128xf32>
            %swap3A_320 = arith.index_cast %multiple_of3A : i32 to index
            %swap3A_321 = arith.constant 128 : index
            %swap3A_322 = vector.load %arg4[%swap3A_320, %swap3A_321] : memref<256x256xf32, #tpu.memory_space<vmem>>, vector<32x128xf32>
            tpu.vector_store %arg4[%swap3A_320, %swap3A_321], %select_n3A_319 {strides = array<i32>} : memref<256x256xf32, #tpu.memory_space<vmem>>, vector<32x128xf32>,
            %get3A_323 = arith.index_cast %multiple_of3A : i32 to index
            %get3A_324 = arith.constant 128 : index
            %get3A_325 = vector.load %arg5[%get3A_323, %get3A_324] : memref<256x256xf32, #tpu.memory_space<vmem>>, vector<32x128xf32>
            %select_n3A_326 = arith.select %lt3A_305, %sub3A_286, %get3A_325 : vector<32x128xi1>, vector<32x128xf32>
            %swap3A_327 = arith.index_cast %multiple_of3A : i32 to index
            %swap3A_328 = arith.constant 128 : index
            %swap3A_329 = vector.load %arg5[%swap3A_327, %swap3A_328] : memref<256x256xf32, #tpu.memory_space<vmem>>, vector<32x128xf32>
            tpu.vector_store %arg5[%swap3A_327, %swap3A_328], %select_n3A_326 {strides = array<i32>} : memref<256x256xf32, #tpu.memory_space<vmem>>, vector<32x128xf32>,
            %get3A_330 = arith.index_cast %multiple_of3A : i32 to index
            %get3A_331 = arith.constant 128 : index
            %get3A_332 = vector.load %arg6[%get3A_330, %get3A_331] : memref<256x256xf32, #tpu.memory_space<vmem>>, vector<32x128xf32>
            %broadcast_in_dim3A_333 = vector.broadcast %convert_element_type3A_221 : f32 to vector<32x128xf32>
            %select_n3A_334 = arith.select %lt3A_305, %broadcast_in_dim3A_333, %get3A_332 : vector<32x128xi1>, vector<32x128xf32>
            %swap3A_335 = arith.index_cast %multiple_of3A : i32 to index
            %swap3A_336 = arith.constant 128 : index
            %swap3A_337 = vector.load %arg6[%swap3A_335, %swap3A_336] : memref<256x256xf32, #tpu.memory_space<vmem>>, vector<32x128xf32>
            tpu.vector_store %arg6[%swap3A_335, %swap3A_336], %select_n3A_334 {strides = array<i32>} : memref<256x256xf32, #tpu.memory_space<vmem>>, vector<32x128xf32>,
          } else {
          }
        }
        %while3A_231 = arith.constant 1 : i32
        scf.for %while3A_232 = %while3A_229 to %while3A_225 step %while3A_231  : i32 {
          %mul3A_233 = arith.constant 32 : i32
          %mul3A_234 = arith.muli %while3A_232, %mul3A_233 : i32
          %multiple_of3A = tpu.assume_multiple %mul3A_234, 32 : i32
          %le3A = arith.constant 0 : i32
          %le3A_235 = arith.cmpi sle, %select_n3A_189, %le3A : i32
          %ge3A_236 = arith.constant 0 : i32
          %ge3A_237 = arith.cmpi sge, %select_n3A_215, %ge3A_236 : i32
          %and3A_238 = arith.andi %le3A_235, %ge3A_237 : i1
          %get3A_239 = arith.index_cast %while3A_232 : i32 to index
          %get3A_240 = arith.constant 0 : index
          %get3A_241 = memref.load %arg8[%get3A_239, %get3A_240] : memref<8x2xf32, #tpu.memory_space<smem>>
          %le3A_242 = arith.cmpf ole, %sub3A_100, %get3A_241 : f32
          %and3A_243 = arith.andi %and3A_238, %le3A_242 : i1
          %convert_element_type3A_244 = arith.extui %and3A_243 : i1 to i32
          %cond3A_245 = arith.constant 0 : i32
          %cond3A_246 = arith.cmpi ne, %convert_element_type3A_244, %cond3A_245 : i32
          scf.if %cond3A_246 {
            %mul3A_260 = arith.constant 32 : i32
            %mul3A_261 = arith.muli %while3A_232, %mul3A_260 : i32
            %add3A_262 = arith.addi %mul3A_0, %mul3A_261 : i32
            %mul3A_263 = arith.muli %sub3A_58, %add3A_262 : i32
            %add3A_264 = arith.addi %neg3A_64, %mul3A_263 : i32
            %mul3A_265 = arith.constant 0 : i32
            %mul3A_266 = arith.muli %sub3A, %mul3A_265 : i32
            %add3A_267 = arith.addi %add3A_264, %mul3A_266 : i32
            %mul3A_268 = arith.muli %sub3A_60, %add3A_262 : i32
            %add3A_269 = arith.addi %neg3A_69, %mul3A_268 : i32
            %mul3A_270 = arith.constant 0 : i32
            %mul3A_271 = arith.muli %sub3A_59, %mul3A_270 : i32
            %add3A_272 = arith.addi %add3A_269, %mul3A_271 : i32
            %add3A_273 = vector.broadcast %add3A_267 : i32 to vector<32x128xi32>
            %add3A_274 = arith.addi %add3A_108, %add3A_273 : vector<32x128xi32>
            %convert_element_type3A_275 = arith.sitofp %add3A_274 : vector<32x128xi32> to vector<32x128xf32>
            %add3A_276 = vector.broadcast %add3A_272 : i32 to vector<32x128xi32>
            %add3A_277 = arith.addi %add3A_113, %add3A_276 : vector<32x128xi32>
            %convert_element_type3A_278 = arith.sitofp %add3A_277 : vector<32x128xi32> to vector<32x128xf32>
            %mul3A_279 = vector.broadcast %div3A_75 : f32 to vector<32x128xf32>
            %mul3A_280 = arith.mulf %convert_element_type3A_275, %mul3A_279 : vector<32x128xf32>
            %mul3A_281 = vector.broadcast %div3A_75 : f32 to vector<32x128xf32>
            %mul3A_282 = arith.mulf %convert_element_type3A_278, %mul3A_281 : vector<32x128xf32>
            %sub3A_283 = arith.constant 1.000000e+00 : f32
            %sub3A_284 = vector.broadcast %sub3A_283 : f32 to vector<32x128xf32>
            %sub3A_285 = arith.subf %sub3A_284, %mul3A_280 : vector<32x128xf32>
            %sub3A_286 = arith.subf %sub3A_285, %mul3A_282 : vector<32x128xf32>
            %mul3A_287 = vector.broadcast %get3A_24 : f32 to vector<32x128xf32>
            %mul3A_288 = arith.mulf %mul3A_280, %mul3A_287 : vector<32x128xf32>
            %mul3A_289 = vector.broadcast %get3A_40 : f32 to vector<32x128xf32>
            %mul3A_290 = arith.mulf %mul3A_282, %mul3A_289 : vector<32x128xf32>
            %add3A_291 = arith.addf %mul3A_288, %mul3A_290 : vector<32x128xf32>
            %mul3A_292 = vector.broadcast %get3A_57 : f32 to vector<32x128xf32>
            %mul3A_293 = arith.mulf %sub3A_286, %mul3A_292 : vector<32x128xf32>
            %add3A_294 = arith.addf %add3A_291, %mul3A_293 : vector<32x128xf32>
            %min3A_295 = arith.minimumf %mul3A_280, %mul3A_282 : vector<32x128xf32>
            %min3A_296 = arith.minimumf %min3A_295, %sub3A_286 : vector<32x128xf32>
            %ge3A_297 = arith.constant 0.000000e+00 : f32
            %ge3A_298 = vector.broadcast %ge3A_297 : f32 to vector<32x128xf32>
            %ge3A_299 = arith.cmpf oge, %min3A_296, %ge3A_298 : vector<32x128xf32>
            %jit3A_300 = arith.constant 0x7F800000 : f32
            %broadcast_in_dim3A = vector.broadcast %jit3A_300 : f32 to vector<32x128xf32>
            %select_n3A_301 = arith.select %ge3A_299, %add3A_294, %broadcast_in_dim3A : vector<32x128xi1>, vector<32x128xf32>
            %get3A_302 = arith.index_cast %multiple_of3A : i32 to index
            %get3A_303 = arith.constant 0 : index
            %get3A_304 = vector.load %arg7[%get3A_302, %get3A_303] : memref<256x256xf32, #tpu.memory_space<vmem>>, vector<32x128xf32>
            %lt3A_305 = arith.cmpf olt, %select_n3A_301, %get3A_304 : vector<32x128xf32>
            %select_n3A_306 = arith.select %lt3A_305, %select_n3A_301, %get3A_304 : vector<32x128xi1>, vector<32x128xf32>
            %swap3A = arith.index_cast %multiple_of3A : i32 to index
            %swap3A_307 = arith.constant 0 : index
            %swap3A_308 = vector.load %arg7[%swap3A, %swap3A_307] : memref<256x256xf32, #tpu.memory_space<vmem>>, vector<32x128xf32>
            tpu.vector_store %arg7[%swap3A, %swap3A_307], %select_n3A_306 {strides = array<i32>} : memref<256x256xf32, #tpu.memory_space<vmem>>, vector<32x128xf32>,
            %get3A_309 = arith.index_cast %multiple_of3A : i32 to index
            %get3A_310 = arith.constant 0 : index
            %get3A_311 = vector.load %arg3[%get3A_309, %get3A_310] : memref<256x256xf32, #tpu.memory_space<vmem>>, vector<32x128xf32>
            %select_n3A_312 = arith.select %lt3A_305, %mul3A_280, %get3A_311 : vector<32x128xi1>, vector<32x128xf32>
            %swap3A_313 = arith.index_cast %multiple_of3A : i32 to index
            %swap3A_314 = arith.constant 0 : index
            %swap3A_315 = vector.load %arg3[%swap3A_313, %swap3A_314] : memref<256x256xf32, #tpu.memory_space<vmem>>, vector<32x128xf32>
            tpu.vector_store %arg3[%swap3A_313, %swap3A_314], %select_n3A_312 {strides = array<i32>} : memref<256x256xf32, #tpu.memory_space<vmem>>, vector<32x128xf32>,
            %get3A_316 = arith.index_cast %multiple_of3A : i32 to index
            %get3A_317 = arith.constant 0 : index
            %get3A_318 = vector.load %arg4[%get3A_316, %get3A_317] : memref<256x256xf32, #tpu.memory_space<vmem>>, vector<32x128xf32>
            %select_n3A_319 = arith.select %lt3A_305, %mul3A_282, %get3A_318 : vector<32x128xi1>, vector<32x128xf32>
            %swap3A_320 = arith.index_cast %multiple_of3A : i32 to index
            %swap3A_321 = arith.constant 0 : index
            %swap3A_322 = vector.load %arg4[%swap3A_320, %swap3A_321] : memref<256x256xf32, #tpu.memory_space<vmem>>, vector<32x128xf32>
            tpu.vector_store %arg4[%swap3A_320, %swap3A_321], %select_n3A_319 {strides = array<i32>} : memref<256x256xf32, #tpu.memory_space<vmem>>, vector<32x128xf32>,
            %get3A_323 = arith.index_cast %multiple_of3A : i32 to index
            %get3A_324 = arith.constant 0 : index
            %get3A_325 = vector.load %arg5[%get3A_323, %get3A_324] : memref<256x256xf32, #tpu.memory_space<vmem>>, vector<32x128xf32>
            %select_n3A_326 = arith.select %lt3A_305, %sub3A_286, %get3A_325 : vector<32x128xi1>, vector<32x128xf32>
            %swap3A_327 = arith.index_cast %multiple_of3A : i32 to index
            %swap3A_328 = arith.constant 0 : index
            %swap3A_329 = vector.load %arg5[%swap3A_327, %swap3A_328] : memref<256x256xf32, #tpu.memory_space<vmem>>, vector<32x128xf32>
            tpu.vector_store %arg5[%swap3A_327, %swap3A_328], %select_n3A_326 {strides = array<i32>} : memref<256x256xf32, #tpu.memory_space<vmem>>, vector<32x128xf32>,
            %get3A_330 = arith.index_cast %multiple_of3A : i32 to index
            %get3A_331 = arith.constant 0 : index
            %get3A_332 = vector.load %arg6[%get3A_330, %get3A_331] : memref<256x256xf32, #tpu.memory_space<vmem>>, vector<32x128xf32>
            %broadcast_in_dim3A_333 = vector.broadcast %convert_element_type3A_221 : f32 to vector<32x128xf32>
            %select_n3A_334 = arith.select %lt3A_305, %broadcast_in_dim3A_333, %get3A_332 : vector<32x128xi1>, vector<32x128xf32>
            %swap3A_335 = arith.index_cast %multiple_of3A : i32 to index
            %swap3A_336 = arith.constant 0 : index
            %swap3A_337 = vector.load %arg6[%swap3A_335, %swap3A_336] : memref<256x256xf32, #tpu.memory_space<vmem>>, vector<32x128xf32>
            tpu.vector_store %arg6[%swap3A_335, %swap3A_336], %select_n3A_334 {strides = array<i32>} : memref<256x256xf32, #tpu.memory_space<vmem>>, vector<32x128xf32>,
          } else {
          }
          %le3A_247 = arith.constant 1 : i32
          %le3A_248 = arith.cmpi sle, %select_n3A_189, %le3A_247 : i32
          %ge3A_249 = arith.constant 1 : i32
          %ge3A_250 = arith.cmpi sge, %select_n3A_215, %ge3A_249 : i32
          %and3A_251 = arith.andi %le3A_248, %ge3A_250 : i1
          %get3A_252 = arith.index_cast %while3A_232 : i32 to index
          %get3A_253 = arith.constant 1 : index
          %get3A_254 = memref.load %arg8[%get3A_252, %get3A_253] : memref<8x2xf32, #tpu.memory_space<smem>>
          %le3A_255 = arith.cmpf ole, %sub3A_100, %get3A_254 : f32
          %and3A_256 = arith.andi %and3A_251, %le3A_255 : i1
          %convert_element_type3A_257 = arith.extui %and3A_256 : i1 to i32
          %cond3A_258 = arith.constant 0 : i32
          %cond3A_259 = arith.cmpi ne, %convert_element_type3A_257, %cond3A_258 : i32
          scf.if %cond3A_259 {
            %mul3A_260 = arith.constant 32 : i32
            %mul3A_261 = arith.muli %while3A_232, %mul3A_260 : i32
            %add3A_262 = arith.addi %mul3A_0, %mul3A_261 : i32
            %mul3A_263 = arith.muli %sub3A_58, %add3A_262 : i32
            %add3A_264 = arith.addi %neg3A_64, %mul3A_263 : i32
            %mul3A_265 = arith.constant 128 : i32
            %mul3A_266 = arith.muli %sub3A, %mul3A_265 : i32
            %add3A_267 = arith.addi %add3A_264, %mul3A_266 : i32
            %mul3A_268 = arith.muli %sub3A_60, %add3A_262 : i32
            %add3A_269 = arith.addi %neg3A_69, %mul3A_268 : i32
            %mul3A_270 = arith.constant 128 : i32
            %mul3A_271 = arith.muli %sub3A_59, %mul3A_270 : i32
            %add3A_272 = arith.addi %add3A_269, %mul3A_271 : i32
            %add3A_273 = vector.broadcast %add3A_267 : i32 to vector<32x128xi32>
            %add3A_274 = arith.addi %add3A_108, %add3A_273 : vector<32x128xi32>
            %convert_element_type3A_275 = arith.sitofp %add3A_274 : vector<32x128xi32> to vector<32x128xf32>
            %add3A_276 = vector.broadcast %add3A_272 : i32 to vector<32x128xi32>
            %add3A_277 = arith.addi %add3A_113, %add3A_276 : vector<32x128xi32>
            %convert_element_type3A_278 = arith.sitofp %add3A_277 : vector<32x128xi32> to vector<32x128xf32>
            %mul3A_279 = vector.broadcast %div3A_75 : f32 to vector<32x128xf32>
            %mul3A_280 = arith.mulf %convert_element_type3A_275, %mul3A_279 : vector<32x128xf32>
            %mul3A_281 = vector.broadcast %div3A_75 : f32 to vector<32x128xf32>
            %mul3A_282 = arith.mulf %convert_element_type3A_278, %mul3A_281 : vector<32x128xf32>
            %sub3A_283 = arith.constant 1.000000e+00 : f32
            %sub3A_284 = vector.broadcast %sub3A_283 : f32 to vector<32x128xf32>
            %sub3A_285 = arith.subf %sub3A_284, %mul3A_280 : vector<32x128xf32>
            %sub3A_286 = arith.subf %sub3A_285, %mul3A_282 : vector<32x128xf32>
            %mul3A_287 = vector.broadcast %get3A_24 : f32 to vector<32x128xf32>
            %mul3A_288 = arith.mulf %mul3A_280, %mul3A_287 : vector<32x128xf32>
            %mul3A_289 = vector.broadcast %get3A_40 : f32 to vector<32x128xf32>
            %mul3A_290 = arith.mulf %mul3A_282, %mul3A_289 : vector<32x128xf32>
            %add3A_291 = arith.addf %mul3A_288, %mul3A_290 : vector<32x128xf32>
            %mul3A_292 = vector.broadcast %get3A_57 : f32 to vector<32x128xf32>
            %mul3A_293 = arith.mulf %sub3A_286, %mul3A_292 : vector<32x128xf32>
            %add3A_294 = arith.addf %add3A_291, %mul3A_293 : vector<32x128xf32>
            %min3A_295 = arith.minimumf %mul3A_280, %mul3A_282 : vector<32x128xf32>
            %min3A_296 = arith.minimumf %min3A_295, %sub3A_286 : vector<32x128xf32>
            %ge3A_297 = arith.constant 0.000000e+00 : f32
            %ge3A_298 = vector.broadcast %ge3A_297 : f32 to vector<32x128xf32>
            %ge3A_299 = arith.cmpf oge, %min3A_296, %ge3A_298 : vector<32x128xf32>
            %jit3A_300 = arith.constant 0x7F800000 : f32
            %broadcast_in_dim3A = vector.broadcast %jit3A_300 : f32 to vector<32x128xf32>
            %select_n3A_301 = arith.select %ge3A_299, %add3A_294, %broadcast_in_dim3A : vector<32x128xi1>, vector<32x128xf32>
            %get3A_302 = arith.index_cast %multiple_of3A : i32 to index
            %get3A_303 = arith.constant 128 : index
            %get3A_304 = vector.load %arg7[%get3A_302, %get3A_303] : memref<256x256xf32, #tpu.memory_space<vmem>>, vector<32x128xf32>
            %lt3A_305 = arith.cmpf olt, %select_n3A_301, %get3A_304 : vector<32x128xf32>
            %select_n3A_306 = arith.select %lt3A_305, %select_n3A_301, %get3A_304 : vector<32x128xi1>, vector<32x128xf32>
            %swap3A = arith.index_cast %multiple_of3A : i32 to index
            %swap3A_307 = arith.constant 128 : index
            %swap3A_308 = vector.load %arg7[%swap3A, %swap3A_307] : memref<256x256xf32, #tpu.memory_space<vmem>>, vector<32x128xf32>
            tpu.vector_store %arg7[%swap3A, %swap3A_307], %select_n3A_306 {strides = array<i32>} : memref<256x256xf32, #tpu.memory_space<vmem>>, vector<32x128xf32>,
            %get3A_309 = arith.index_cast %multiple_of3A : i32 to index
            %get3A_310 = arith.constant 128 : index
            %get3A_311 = vector.load %arg3[%get3A_309, %get3A_310] : memref<256x256xf32, #tpu.memory_space<vmem>>, vector<32x128xf32>
            %select_n3A_312 = arith.select %lt3A_305, %mul3A_280, %get3A_311 : vector<32x128xi1>, vector<32x128xf32>
            %swap3A_313 = arith.index_cast %multiple_of3A : i32 to index
            %swap3A_314 = arith.constant 128 : index
            %swap3A_315 = vector.load %arg3[%swap3A_313, %swap3A_314] : memref<256x256xf32, #tpu.memory_space<vmem>>, vector<32x128xf32>
            tpu.vector_store %arg3[%swap3A_313, %swap3A_314], %select_n3A_312 {strides = array<i32>} : memref<256x256xf32, #tpu.memory_space<vmem>>, vector<32x128xf32>,
            %get3A_316 = arith.index_cast %multiple_of3A : i32 to index
            %get3A_317 = arith.constant 128 : index
            %get3A_318 = vector.load %arg4[%get3A_316, %get3A_317] : memref<256x256xf32, #tpu.memory_space<vmem>>, vector<32x128xf32>
            %select_n3A_319 = arith.select %lt3A_305, %mul3A_282, %get3A_318 : vector<32x128xi1>, vector<32x128xf32>
            %swap3A_320 = arith.index_cast %multiple_of3A : i32 to index
            %swap3A_321 = arith.constant 128 : index
            %swap3A_322 = vector.load %arg4[%swap3A_320, %swap3A_321] : memref<256x256xf32, #tpu.memory_space<vmem>>, vector<32x128xf32>
            tpu.vector_store %arg4[%swap3A_320, %swap3A_321], %select_n3A_319 {strides = array<i32>} : memref<256x256xf32, #tpu.memory_space<vmem>>, vector<32x128xf32>,
            %get3A_323 = arith.index_cast %multiple_of3A : i32 to index
            %get3A_324 = arith.constant 128 : index
            %get3A_325 = vector.load %arg5[%get3A_323, %get3A_324] : memref<256x256xf32, #tpu.memory_space<vmem>>, vector<32x128xf32>
            %select_n3A_326 = arith.select %lt3A_305, %sub3A_286, %get3A_325 : vector<32x128xi1>, vector<32x128xf32>
            %swap3A_327 = arith.index_cast %multiple_of3A : i32 to index
            %swap3A_328 = arith.constant 128 : index
            %swap3A_329 = vector.load %arg5[%swap3A_327, %swap3A_328] : memref<256x256xf32, #tpu.memory_space<vmem>>, vector<32x128xf32>
            tpu.vector_store %arg5[%swap3A_327, %swap3A_328], %select_n3A_326 {strides = array<i32>} : memref<256x256xf32, #tpu.memory_space<vmem>>, vector<32x128xf32>,
            %get3A_330 = arith.index_cast %multiple_of3A : i32 to index
            %get3A_331 = arith.constant 128 : index
            %get3A_332 = vector.load %arg6[%get3A_330, %get3A_331] : memref<256x256xf32, #tpu.memory_space<vmem>>, vector<32x128xf32>
            %broadcast_in_dim3A_333 = vector.broadcast %convert_element_type3A_221 : f32 to vector<32x128xf32>
            %select_n3A_334 = arith.select %lt3A_305, %broadcast_in_dim3A_333, %get3A_332 : vector<32x128xi1>, vector<32x128xf32>
            %swap3A_335 = arith.index_cast %multiple_of3A : i32 to index
            %swap3A_336 = arith.constant 128 : index
            %swap3A_337 = vector.load %arg6[%swap3A_335, %swap3A_336] : memref<256x256xf32, #tpu.memory_space<vmem>>, vector<32x128xf32>
            tpu.vector_store %arg6[%swap3A_335, %swap3A_336], %select_n3A_334 {strides = array<i32>} : memref<256x256xf32, #tpu.memory_space<vmem>>, vector<32x128xf32>,
          } else {
          }
        }
      } else {
      }
    }
    %scan3A_11 = arith.constant 128 : i32
    return
  }
  func.func @transform_0(%arg0: i32, %arg1: i32) -> (i32, i32) {
    %c0_i32 = arith.constant 0 : i32
    %c0_i32_0 = arith.constant 0 : i32
    return %arg1, %c0_i32 : i32, i32
  }
  func.func @transform_1(%arg0: i32, %arg1: i32) -> (i32, i32) {
    %c0_i32 = arith.constant 0 : i32
    %c0_i32_0 = arith.constant 0 : i32
    return %arg0, %c0_i32 : i32, i32
  }
  func.func @transform_2(%arg0: i32, %arg1: i32) -> (i32, i32) {
    %c0_i32 = arith.constant 0 : i32
    %c0_i32_0 = arith.constant 0 : i32
    return %arg0, %c0_i32 : i32, i32
  }
  func.func @transform_3(%arg0: i32, %arg1: i32) -> (i32, i32) {
    %c0_i32 = arith.constant 0 : i32
    %c0_i32_0 = arith.constant 0 : i32
    return %arg0, %c0_i32 : i32, i32
  }
  func.func @transform_4(%arg0: i32, %arg1: i32) -> (i32, i32) {
    %c0_i32 = arith.constant 0 : i32
    %c0_i32_0 = arith.constant 0 : i32
    return %arg0, %c0_i32 : i32, i32
  }
}

</mosaic_0001>

<sc_bundles>
// kernel: kernel.4.cloned.1.call-start
scs
__scs_entry_jumppad:
0x0: {  	(pc) =	sbr.rel $0x88, $3  }
0x1: {  	(tag) =	ssettag $0x0;
	lr =	simm.s32 $0x1  }
0x2: {  	[smem:$0x3F9D] =	sst lr;
	_ =	strace $0xD0000000  }
0x3: {  	_ = 	snop  }
0x4: {  	_ = 	snop  }
0x5: {  	_ = 	snop  }
0x6: {  	_ = 	snop  }
0x7: {  	_ = 	snop  }
__scs_overlays_trampoline_lowered:
0x8: {  	[smem:$0x3FAC] =	sst s0  }
0x9: {  	[smem:$0x3FAD] =	sst s1  }
0xa: {  	[smem:$0x3FAE] =	sst s2  }
0xb: {  	[smem:$0x3FAF] =	sst s3  }
0xc: {  	[smem:$0x3FB0] =	sst s4  }
0xd: {  	[smem:$0x3FB1] =	sst s5  }
0xe: {  	[smem:$0x3FB2] =	sst s6  }
0xf: {  	[smem:$0x3FB3] =	sst s7  }
0x10: {  	[smem:$0x3FB4] =	sst s8  }
0x11: {  	[smem:$0x3FB5] =	sst s9;
	s0 =	simm.s32 @!p0 $0x0  }
0x12: {  	s1 =	sld [smem:$0x3F9B];
	s0 =	simm.s32 @p0 $0x1  }
0x13: {  	[smem:$0x3FB6] =	sst s0;
	s0 =	simm.s32 @!p1 $0x0  }
0x14: {  	s2 =	sld [smem:$0x3F9A];
	s0 =	simm.s32 @p1 $0x1  }
0x15: {  	[smem:$0x3FB7] =	sst s0;
	s0 =	simm.s32 @!p2 $0x0  }
0x16: {  	s3 =	sld [smem:$0x3FDB];
	s0 =	simm.s32 @p2 $0x1  }
0x17: {  	s4 =	simm.s32 $0x1BF5;
	[smem:$0x3FB9] =	sst s0  }
0x18: {  	s0 =	sld [smem:$0x3F9C];
	_ =	swait.ge [sflag:s4], $0x0  }
0x19: {  	s7 =	sld [smem:$0x3F9D]  }
0x1a: {  	s8 =	sadd.s32 $0xFFFFE003, lr  }
0x1b: {  	s9 =	sadd.s32 $0xFFFFFEF7, lr;
	s5 =	simm.s32 $0xFFFFFFFF;
	p2 =	slt.u32 s8, $0xFFFFF086  }
0x1c: {  	p1 =	slt.u32 s9, $0xF7A;
	s5 =	simm.s32 @!p2 $0x0  }
0x1d: {  	s5 =	simm.s32 @p1 $0x1;
	p0 =	seq.s32 s7, s2  }
0x1e: {  	s7 =	smul.u32 @!p0 $0xF7A, s2;
	p2 =	seq.s32 @!p0 s5, $0x0  }
0x1f: {  	s9 =	smul.u32 $0xF7A, s1;
	s8 =	simm.s32 @!p0 $0x1BF5;
	p2 =	por !p2, p0  }
0x20: {  	[sflag:s8] =	ssyncset.s32 @!p0 $0xFFFFF086;
	s6 =	sadd.s32 @!p0 s3, s7;
	s7 =	simm.s32 @!p0 $0x108  }
0x21: {  	s3 =	sadd.s32 s3, s9;
	s6 =	sadd.s32 @!p0 $0x88, s6;
	s7 =	simm.s32 @p2 $0x1082  }
0x22: {  	[simem:s7], [sflag:s8] =	dma.local @!p0 [hbm:s6], $0xF7A  }
0x23: {  	s9 =	sor.u32 $0xD0000000, s2;
	s6 =	simm.s32 $0x108;
	_ =	swait.ge @!p0 [sflag:s8], $0x0  }
0x24: {  	s3 =	sadd.s32 $0x88, s3;
	s6 =	simm.s32 @!p1 $0x1082;
	[sflag:s4] =	ssyncset.s32 $0xFFFFF086  }
0x25: {  	[simem:s6], [sflag:s4] =	dma.local [hbm:s3], $0xF7A  }
0x26: {  	[smem:$0x3F9D] =	sst s1;
	(tag) =	ssettag s2;
	_ =	strace s9  }
0x27: {  	s1 =	sld [smem:$0x3FAD]  }
0x28: {  	s2 =	sld [smem:$0x3FAE]  }
0x29: {  	s4 =	sld [smem:$0x3FB0]  }
0x2a: {  	p0 =	seq.s32 s5, $0x0;
	s5 =	sld [smem:$0x3FB1]  }
0x2b: {  	s6 =	sld [smem:$0x3FB2]  }
0x2c: {  	s7 =	sld [smem:$0x3FB3]  }
0x2d: {  	s3 =	simm.s32 $0x108;
	s8 =	sld [smem:$0x3FB4]  }
0x2e: {  	s3 =	simm.s32 @!p0 $0x1082;
	s9 =	sld [smem:$0x3FB5]  }
0x2f: {  	lr =	sadd.s32 s0, s3;
	s0 =	sld [smem:$0x3FAC]  }
0x30: {  	s3 =	sld [smem:$0x3FAF]  }
0x31: {  	[smem:$0x3FB8] =	sst s10  }
0x32: {  	s10 =	sld [smem:$0x3FB6];
	_ =	sdelay $0x3  }
0x33: {  	p0 =	seq.s32 s10, $0x1;
	s10 =	sld [smem:$0x3FB8];
	_ =	sdelay $0x3  }
0x34: {  	[smem:$0x3FB8] =	sst s10  }
0x35: {  	s10 =	sld [smem:$0x3FB7];
	_ =	sdelay $0x3  }
0x36: {  	p1 =	seq.s32 s10, $0x1;
	s10 =	sld [smem:$0x3FB8];
	_ =	sdelay $0x3  }
0x37: {  	[smem:$0x3FB8] =	sst s10  }
0x38: {  	s10 =	sld [smem:$0x3FB9]  }
0x39: {  	_ = 	snop;
	(pc) =	sbr.ind lr, $3  }
0x3a: {  	_ = 	snop  }
0x3b: {  	_ = 	snop  }
0x3c: {  	p2 =	seq.s32 s10, $0x1;
	s10 =	sld [smem:$0x3FB8]  }
0x3d: {  	_ =	shalt  }
0x3e: {  	_ =	shalt  }
0x3f: {  	_ =	shalt  }
0x40: {  	_ =	shalt  }
0x41: {  	_ =	shalt  }
0x42: {  	_ =	shalt  }
0x43: {  	_ =	shalt  }
0x44: {  	_ =	shalt  }
0x45: {  	_ =	shalt  }
0x46: {  	_ =	shalt  }
0x47: {  	_ =	shalt  }
0x48: {  	_ =	shalt  }
0x49: {  	_ =	shalt  }
0x4a: {  	_ =	shalt  }
0x4b: {  	_ =	shalt  }
0x4c: {  	_ =	shalt  }
0x4d: {  	_ =	shalt  }
0x4e: {  	_ =	shalt  }
0x4f: {  	_ =	shalt  }
0x50: {  	_ =	shalt  }
0x51: {  	_ =	shalt  }
0x52: {  	_ =	shalt  }
0x53: {  	_ =	shalt  }
0x54: {  	_ =	shalt  }
0x55: {  	_ =	shalt  }
0x56: {  	_ =	shalt  }
0x57: {  	_ =	shalt  }
0x58: {  	_ =	shalt  }
0x59: {  	_ =	shalt  }
0x5a: {  	_ =	shalt  }
0x5b: {  	_ =	shalt  }
0x5c: {  	_ =	shalt  }
0x5d: {  	_ =	shalt  }
0x5e: {  	_ =	shalt  }
0x5f: {  	_ =	shalt  }
0x60: {  	_ =	shalt  }
0x61: {  	_ =	shalt  }
0x62: {  	_ =	shalt  }
0x63: {  	_ =	shalt  }
0x64: {  	_ =	shalt  }
0x65: {  	_ =	shalt  }
0x66: {  	_ =	shalt  }
0x67: {  	_ =	shalt  }
0x68: {  	_ =	shalt  }
0x69: {  	_ =	shalt  }
0x6a: {  	_ =	shalt  }
0x6b: {  	_ =	shalt  }
0x6c: {  	_ =	shalt  }
0x6d: {  	_ =	shalt  }
0x6e: {  	_ =	shalt  }
0x6f: {  	_ =	shalt  }
0x70: {  	_ =	shalt  }
0x71: {  	_ =	shalt  }
0x72: {  	_ =	shalt  }
0x73: {  	_ =	shalt  }
0x74: {  	_ =	shalt  }
0x75: {  	_ =	shalt  }
0x76: {  	_ =	shalt  }
0x77: {  	_ =	shalt  }
0x78: {  	_ =	shalt  }
0x79: {  	_ =	shalt  }
0x7a: {  	_ =	shalt  }
0x7b: {  	_ =	shalt  }
0x7c: {  	_ =	shalt  }
0x7d: {  	_ =	shalt  }
0x7e: {  	_ =	shalt  }
0x7f: {  	_ =	shalt  }
0x80: {  	_ =	shalt  }
0x81: {  	_ =	shalt  }
0x82: {  	_ =	shalt  }
0x83: {  	_ =	shalt  }
0x84: {  	_ =	shalt  }
0x85: {  	_ =	shalt  }
0x86: {  	_ =	shalt  }
0x87: {  	_ =	shalt  }
.Lfunc_end0:
.L_simem_size_0:
called_computation_lowered:
.L_overlay_start_0:
0x88: {  	s2 =	sld [smem:$0x3FD9]  }
0x89: {  	s3 =	sld [smem:$0x3FFE];
	_ =	sdelay $0x1  }
0x8a: {  	s1 =	srdreg.scid  }
0x8b: {  	s0 =	sand.u32 $0x1, s1  }
0x8c: {  	s17 =	sshll.u32 s0, $0xA;
	s2 =	sadd.s32 s3, s2  }
0x8d: {  	s2 =	sadd.s32 s2, s17  }
0x8e: {  	[smem:$0x3FC4] =	sst s2  }
0x8f: {  	_ = 	snop  }
0x90: {  	s2 =	sld [smem:$0x3FC8]  }
0x91: {  	s18 =	sld [smem:$0x3FD0];
	(tm) =	ssettm $0x1  }
0x92: {  	s4 =	sld [smem:$0x3FFB];
	_ =	sdelay $0x3  }
0x93: {  	_ =	strace s4  }
0x94: {  	s4 =	sld [smem:$0x3FFC];
	_ =	sdelay $0x3  }
0x95: {  	_ =	strace s4  }
0x96: {  	s4 =	sld [smem:$0x3FFD];
	_ =	sdelay $0x3  }
0x97: {  	_ =	strace s4  }
0x98: {  	_ =	strace $0x8FFFFFFF  }
0x99: {  	s19 =	sld [smem:$0x3FDB];
	_ =	sdelay $0x1  }
0x9a: {  	s5 =	simm.s32 $_scs_section_size  }
0x9b: {  	s6 =	simm.s32 $_size__tile_overlayer_lowered;
	s7 =	simm.s32 $_tile_overlayer_lowered  }
0x9c: {  	s22 =	simm.s32 $0x1BFF;
	s21 =	sshll.u32 s7, $0x1;
	s4 =	sadd.s32 s5, s19  }
0x9d: {  	s8 =	simm.s32 $0x0;
	s20 =	sshll.u32 s6, $0x1;
	s6 =	sadd.s32 s21, s4  }
0x9e: {  	[timem:s8], [sflag:s22] =	dma.local [hbm:s6], s20  }
0x9f: {  	_ =	swait.ge [sflag:s22], s20  }
0xa0: {  	s5 =	ssub.s32 $0x0, s20;
	[sflag:s22] =	ssyncset.done $0x0  }
0xa1: {  	[sflag:s22] =	ssyncadd.s32 s5;
	_ =	sdelay $0x1  }
0xa2: {  	s23 =	simm.s32 $0x1B8B  }
0xa3: {  	_ =	swait.ge [sflag:s23], $0x1  }
0xa4: {  	[sflag:s23] =	ssyncset.done $0x0  }
0xa5: {  	s25 =	simm.s32 $0x1B8E;
	s24 =	sld [smem:$0x3FFE];
	[sflag:s23] =	ssyncadd.s32 $0xFFFFFFFF  }
0xa6: {  	s26 =	simm.s32 $execute0_lowered;
	[smem:$0x3FD2] =	sst s25  }
0xa7: {  	s6 =	sshll.u32 s26, $0x1;
	_ =	strace $0x80000046;
	[dreg:$0x1] =	wrdreg $0xFFFFFFFF  }
0xa8: {  	s28 =	simm.s32 $_size_execute0_lowered;
	s4 =	sadd.s32 s4, s6;
	[dreg:$0x0] =	wrdreg $0x0  }
0xa9: {  	s6 =	sshll.u32 s28, $0x1;
	[dreg:$0x2] =	wrdreg s4  }
0xaa: {  	[dreg:$0x3] =	wrdreg s6  }
0xab: {  	[dreg:$0x4] =	wrdreg $0xC0  }
0xac: {  	_ =	task [dreg:s8], $0x5FFFF  }
0xad: {  	[dreg:$0x1] =	wrdreg $0xFFFFFFFF  }
0xae: {  	[dreg:$0x0] =	wrdreg $0x60  }
0xaf: {  	[dreg:$0x2] =	wrdreg s24  }
0xb0: {  	[dreg:$0x3] =	wrdreg s2  }
0xb1: {  	[dreg:$0x4] =	wrdreg s18  }
0xb2: {  	[dreg:$0x5] =	wrdreg $0x9  }
0xb3: {  	_ =	task.clear_ibuf [dreg:s8], $0x6FFFF;
	_ =	strace $0x90000046  }
0xb4: {  	s29 =	simm.s32 $0x9;
	_ =	strace $0x80000048  }
0xb5: {  	_ =	swait.ge [sflag:s29], $0x1  }
0xb6: {  	[sflag:s29] =	ssyncadd.s32 $0xFFFFFFFF  }
0xb7: {  	_ =	strace $0x90000048  }
0xb8: {  	_ =	sfence  }
0xb9: {  	s30 =	sld [smem:$0x0];
	_ =	sdelay $0x2  }
0xba: {  	s31 =	sshll.u32 s1, $0xD;
	s1 =	sshrl.u32 s1, $0x2  }
0xbb: {  	s3 =	sand.u32 $0x4000, s31;
	s1 =	sadd.s32 s1, s30  }
0xbc: {  	s0 =	sor.u32 s3, s0;
	s1 =	sshll.u32 s1, $0x11  }
0xbd: {  	s0 =	sor.u32 s1, s0  }
0xbe: {  	s0 =	sadd.s32 $0x8F2B, s0  }
0xbf: {  	[sflag:s0] =	ssyncadd.remote.s32 $0x1  }
0xc0: {  	_ =	sfence.sel $0xFFFF  }
0xc1: {  	[dreg:$0x0] =	wrdreg $0xFFFFFFFF;
	(pc) =	sbr.abs _section_cstart, $3  }
0xc2: {  	[dreg:$0x1] =	wrdreg $0xFFFFFFFF  }
0xc3: {  	_ =	task.clear_ibuf [dreg:s8], $0x2FFFF;
	_ =	strace $0x9FFFFFFF  }
0xc4: {  	(tm) =	ssettm $0x7FFFFFFF  }
0xc5: {  	_ =	shalt  }
tec
execute0_lowered:
.L_overlay_start_1:
0x0: {  	(tag) =	ssettag $0x1  }
0x1: {  	s1 =	rddreg [dreg:$0x0]  }
0x2: {  	s2 =	srdreg.scid;
	s0 =	stileid.u32  }
0x3: {  	s4 =	rddreg [dreg:$0x1];
	s6 =	sand.u32 $0x1, s2;
	s30 =	sshll.u32 s0, $0x1  }
0x4: {  	s8 =	rddreg [dreg:$0x2];
	s3 =	simm.s32 $0x0;
	s9 =	sor.u32 s6, s30  }
0x5: {  	[smem:$0x7FF] =	sst s3;
	s5 =	smul.u32 $0x30, s9  }
0x6: {  	s2 =	rddreg [dreg:$0x3];
	_ =	strace $0x80000047  }
0x7: {  	s10 =	ssub.s32 $0x2, s6;
	s5 =	sadd.s32 s4, s5;
	s4 =	simm.s32 $0x2  }
0x8: {  	[tilespmem:s3], [sflag:$0x2] =	stream.linear.gather [hbm4b:s5+s3], $0x180, $0x38;
	[tilespmem:$0x1980] =	vst v63  }
0x9: {  	s11 =	sshrl.u32 s10, $0x1;
	_ =	swait.ge [sflag:s4], $0x180  }
0xa: {  	s7 =	simm.s32 $0x1;
	s10 =	ssub.s32 s10, s11;
	[sflag:s4] =	ssyncset.done $0x0  }
0xb: {  	s6 =	simm.s32 $0x180;
	s31 =	smax.u32 s10, $0x1;
	[sflag:s4] =	ssyncadd.s32 $0xFFFFFE80  }
0xc: {  	[tilespmem:s6], [sflag:$0x1] =	stream.indirect.gather [hbm4b:s1+s6], $0x10, s3, s6, $0xb8;
	[tilespmem:$0x1980] =	vst v63  }
0xd: {  	s9 =	smul.u32 $0x300, s9;
	p0 =	sne.s32 s31, $0x1;
	_ =	swait.ge [sflag:s7], $0x1800  }
.Ltmp0:
0xe: {  	[sflag:s7] =	ssyncset.done $0x0;
	(pc) =	sbr.rel @!p0 .LBB2_2-.Ltmp0, $4  }
0xf: {  	s8 =	sadd.s32 s8, s9;
	[sflag:s7] =	ssyncadd.s32 $0xFFFFE800  }
0x10: {  	[hbm4b:s8+s3] =	stream.linear.scatter [tilespmem:s6], [sflag:$0x2], $0x1800, $0x38;
	[tilespmem:$0x1980] =	vst v63  }
0x11: {  	_ =	swait.ge [sflag:s4], $0x1800  }
0x12: {  	s9 =	sadd.s32 $0xFFFFFFFF, s31;
	[sflag:s4] =	ssyncset.done $0x0  }
.LBB2_1:
0x13: {  	p0 =	sne.s32 s9, $0x1;
	s9 =	sadd.s32 $0xFFFFFFFF, s9;
	[sflag:s4] =	ssyncadd.s32 $0xFFFFE800  }
0x14: {  	[tilespmem:s3], [sflag:$0x2] =	stream.linear.gather [hbm4b:s5+s3], $0x180, $0x38;
	[tilespmem:$0x1980] =	vst v63  }
0x15: {  	_ =	swait.ge [sflag:s4], $0x180  }
0x16: {  	[sflag:s4] =	ssyncset.done $0x0  }
0x17: {  	[sflag:s4] =	ssyncadd.s32 $0xFFFFFE80  }
0x18: {  	[tilespmem:s6], [sflag:$0x1] =	stream.indirect.gather [hbm4b:s1+s6], $0x10, s3, s6, $0xb8;
	[tilespmem:$0x1980] =	vst v63  }
0x19: {  	_ =	swait.ge [sflag:s7], $0x1800  }
.Ltmp1:
0x1a: {  	[sflag:s7] =	ssyncset.done $0x0;
	(pc) =	sbr.rel @p0 .LBB2_1-.Ltmp1, $4  }
0x1b: {  	[sflag:s7] =	ssyncadd.s32 $0xFFFFE800  }
0x1c: {  	[hbm4b:s8+s3] =	stream.linear.scatter [tilespmem:s6], [sflag:$0x2], $0x1800, $0x38;
	[tilespmem:$0x1980] =	vst v63  }
0x1d: {  	_ =	swait.ge [sflag:s4], $0x1800  }
0x1e: {  	[sflag:s4] =	ssyncset.done $0x0  }
.LBB2_2:
0x1f: {  	[sflag:s4] =	ssyncadd.s32 $0xFFFFE800  }
0x20: {  	_ =	sfence.sel $0x180000  }
0x21: {  	[bflag:$0x0] =	sbarrier.arrive $0xFFFF  }
0x22: {  	p0 =	sne.s32 s0, $0x0;
	_ =	strace $0x90000047  }
0x23: {  	s0 =	sadd.s32 @!p0 $0x100000, s2;
	[bflag:$0x2] =	sbarrier.arrive $0xFFFF  }
0x24: {  	[sflag:s0] =	ssyncadd.tile.s32 @!p0 $0x1;
	_ =	shalt  }
.Lfunc_end2:
_tile_overlayer_lowered:
.L_overlay_start_2:
0x25: {  	(tag) =	ssettag $0x2  }
0x26: {  	s0 =	rddreg [dreg:$0x0];
	s2 =	stileid.u32  }
0x27: {  	s1 =	rddreg [dreg:$0x1];
	p0 =	sne.s32 s2, $0x0  }
0x28: {  	s3 =	rddreg [dreg:$0x2];
	[bflag:$0x3] =	sbarrier.arrive $0xFFFF;
	s2 =	simm.s32 @!p0 $0x1C02  }
0x29: {  	[timem:s3], [sflag:s2] =	dma.local @!p0 [hbm:s0], s1  }
0x2a: {  	s0 =	simm.s32 @!p0 $0x2  }
0x2b: {  	_ =	swait.ge @!p0 [sflag:s0], s1  }
0x2c: {  	s1 =	ssub.s32 @!p0 $0x0, s1;
	[sflag:s0] =	ssyncset.done @!p0 $0x0  }
0x2d: {  	[sflag:s0] =	ssyncadd.s32 @!p0 s1  }
0x2e: {  	[bflag:$0x3] =	sbarrier.arrive $0xFFFF  }
0x2f: {  	_ =	shalt  }

</sc_bundles>
